<compile_context>
chip_gen: v7x
topology: tpu7x:2x2x1
jax: 0.10.2.dev20260603
libtpu: 0.0.44.dev20260713+nightly
codegen_flags: <defaults>
</compile_context>

<pallas_src>
import functools

import jax
import jax.numpy as jnp
from jax import lax
from jax.experimental import pallas as pl
from jax.experimental.pallas import tpu as pltpu
from jax.experimental.pallas import tpu_sc as plsc

N = 10000
E = 320000
D = 128

NC = 2
NS = 16
NW = NC * NS
CH = 128
CPT = 80
EPT = CH * CPT
E_PAD = NW * EPT
NPAD = 10240
ROWS_PT = NPAD // NS
RB = 1000

_mesh = plsc.VectorSubcoreMesh(core_axis_name="c", subcore_axis_name="s")



@functools.partial(
    pl.kernel,
    out_type=jax.ShapeDtypeStruct((NW, NPAD), jnp.float32),
    mesh=_mesh,
    compiler_params=pltpu.CompilerParams(needs_layout_passes=False),
    scratch_types=[
        pltpu.VMEM((CPT, CH), jnp.int32),
        pltpu.VMEM((NPAD,), jnp.float32),
    ],
)
def _sc_hist(dst_hbm, out_hbm, idx_v, hist_v):
    c = lax.axis_index("c")
    s = lax.axis_index("s")
    wid = c * NS + s
    pltpu.sync_copy(dst_hbm.at[wid], idx_v)

    zeros16 = jnp.zeros((16,), jnp.float32)

    def zbody(i, carry):
        hist_v[pl.ds(i * 16, 16)] = zeros16
        return carry

    lax.fori_loop(0, NPAD // 16, zbody, 0)

    ones16 = jnp.ones((16,), jnp.float32)

    def body(j, carry):
        for sub in range(CH // 16):
            idx16 = idx_v[j, pl.ds(sub * 16, 16)]
            plsc.addupdate_scatter(hist_v, [idx16], ones16)
        return carry

    lax.fori_loop(0, CPT, body, 0)
    pltpu.sync_copy(hist_v, out_hbm.at[wid])


@functools.partial(
    pl.kernel,
    out_type=jax.ShapeDtypeStruct((NC, NPAD, D), jnp.float32),
    mesh=_mesh,
    compiler_params=pltpu.CompilerParams(needs_layout_passes=False),
    scratch_types=[
        pltpu.VMEM((CPT, CH), jnp.int32),
        pltpu.VMEM((CPT, CH), jnp.int32),
        pltpu.VMEM((CH,), jnp.int32),
        pltpu.VMEM((CH, D), jnp.float32),
        pltpu.VMEM_SHARED((NPAD, D), jnp.float32),
        pltpu.SemaphoreType.DMA,
    ],
)
def _sc_agg(src_hbm, dst_hbm, y_hbm, out_hbm, src_v, dst_v, dbuf, rows, acc, sem):
    c = lax.axis_index("c")
    s = lax.axis_index("s")
    wid = c * NS + s
    pltpu.sync_copy(src_hbm.at[wid], src_v)
    pltpu.sync_copy(dst_hbm.at[wid], dst_v)

    zeros16 = jnp.zeros((16,), jnp.float32)

    def zbody(i, carry):
        for sub in range(D // 16):
            rows[i, pl.ds(sub * 16, 16)] = zeros16
        return carry

    lax.fori_loop(0, CH, zbody, 0)

    for k in range(ROWS_PT // CH):
        pltpu.sync_copy(rows, acc.at[pl.ds(s * ROWS_PT + k * CH, CH)])
    plsc.subcore_barrier()

    def body(j, carry):
        pltpu.async_copy(y_hbm.at[src_v.at[j]], rows, sem).wait()
        for sub in range(CH // 16):
            dbuf[pl.ds(sub * 16, 16)] = dst_v[j, pl.ds(sub * 16, 16)]
        pltpu.sync_copy(rows, acc.at[dbuf], add=True)
        return carry

    lax.fori_loop(0, CPT, body, 0)
    plsc.subcore_barrier()

    for k in range(ROWS_PT // CH):
        r = s * ROWS_PT + k * CH
        pltpu.sync_copy(acc.at[pl.ds(r, CH)], out_hbm.at[c, pl.ds(r, CH)])



def _tc_dinv(hist):
    def k(h_ref, o_ref):
        deg = jnp.sum(h_ref[...], axis=0, keepdims=True) + 1.0
        o_ref[...] = lax.rsqrt(deg)

    return pl.pallas_call(
        k, out_shape=jax.ShapeDtypeStruct((1, NPAD), jnp.float32)
    )(hist)


def _tc_scale(dinv_col, x):
    def k(d_ref, x_ref, o_ref):
        o_ref[...] = d_ref[...] * x_ref[...]

    return pl.pallas_call(
        k,
        grid=(N // RB,),
        in_specs=[
            pl.BlockSpec((RB, 1), lambda i: (i, 0)),
            pl.BlockSpec((RB, D), lambda i: (i, 0)),
        ],
        out_specs=pl.BlockSpec((RB, D), lambda i: (i, 0)),
        out_shape=jax.ShapeDtypeStruct((N, D), jnp.float32),
    )(dinv_col, x)


def _tc_mid(a0, a1, y, dinv_col, W1, b1, W2):
    def k(a0r, a1r, yr, dr, w1r, b1r, w2r, outr):
        s1 = dr[...] * (a0r[...] + a1r[...] + yr[...])
        x1 = jnp.dot(s1, w1r[...], preferred_element_type=jnp.float32) + b1r[...]
        z = jnp.maximum(x1, 0.0)
        outr[...] = dr[...] * jnp.dot(z, w2r[...], preferred_element_type=jnp.float32)

    row = lambda i: (i, 0)
    fix = lambda i: (0, 0)
    return pl.pallas_call(
        k,
        grid=(N // RB,),
        in_specs=[
            pl.BlockSpec((RB, D), row),
            pl.BlockSpec((RB, D), row),
            pl.BlockSpec((RB, D), row),
            pl.BlockSpec((RB, 1), row),
            pl.BlockSpec((D, 4 * D), fix),
            pl.BlockSpec((4 * D,), lambda i: (0,)),
            pl.BlockSpec((4 * D, D), fix),
        ],
        out_specs=pl.BlockSpec((RB, D), row),
        out_shape=jax.ShapeDtypeStruct((N, D), jnp.float32),
    )(a0, a1, y, dinv_col, W1, b1, W2)


def _tc_final(a0, a1, y2, dinv_col, b2):
    def k(a0r, a1r, yr, dr, b2r, outr):
        outr[...] = dr[...] * (a0r[...] + a1r[...] + yr[...]) + b2r[...]

    row = lambda i: (i, 0)
    return pl.pallas_call(
        k,
        grid=(N // RB,),
        in_specs=[
            pl.BlockSpec((RB, D), row),
            pl.BlockSpec((RB, D), row),
            pl.BlockSpec((RB, D), row),
            pl.BlockSpec((RB, 1), row),
            pl.BlockSpec((D,), lambda i: (0,)),
        ],
        out_specs=pl.BlockSpec((RB, D), row),
        out_shape=jax.ShapeDtypeStruct((N, D), jnp.float32),
    )(a0, a1, y2, dinv_col, b2)



def kernel(edge_index, x_all, ix, max_iter, W1, b1, W2, b2):
    del ix, max_iter
    src = edge_index[0]
    dst = edge_index[1]
    pad = E_PAD - E
    src_p = jnp.concatenate([src, jnp.zeros((pad,), jnp.int32)])
    dst_p = jnp.concatenate(
        [dst, N + (jnp.arange(pad, dtype=jnp.int32) % (NPAD - N))]
    )
    src3d = src_p.reshape(NW, CPT, CH)
    dst3d = dst_p.reshape(NW, CPT, CH)

    hist = _sc_hist(dst3d)
    dinv_row = _tc_dinv(hist)
    dinv_col = dinv_row.reshape(NPAD, 1)[:N]
    y = _tc_scale(dinv_col, x_all)

    agg1 = _sc_agg(src3d, dst3d, y)
    y2 = _tc_mid(agg1[0, :N], agg1[1, :N], y, dinv_col, W1, b1, W2)
    agg2 = _sc_agg(src3d, dst3d, y2)
    return _tc_final(agg2[0, :N], agg2[1, :N], y2, dinv_col, b2)

# --- scband reference (transcript-rebuilt; emitter-appended) ---
"""Pipeline reference for scband-eaconv-78469052498587 (READ-ONLY COPY).

The authoritative reference and input builder live on the scoring server;
editing this copy changes nothing except your own understanding.
"""

import jax, jax.numpy as jnp
import numpy as np

N = 10000
E = 320000
D = 128


def setup_inputs(seed: int = 0) -> dict:
    key = jax.random.key(seed)
    k1, k2, k3, k4 = jax.random.split(key, 4)
    x_all = jax.random.normal(k1, (N, D), dtype=jnp.float32)
    edge_index = jax.random.randint(k2, (2, E), 0, N, dtype=jnp.int32)
    W1 = jax.random.normal(k3, (D, 4 * D), dtype=jnp.float32) * (1.0 / np.sqrt(D))
    b1 = jnp.zeros((4 * D,), dtype=jnp.float32)
    W2 = jax.random.normal(k4, (4 * D, D), dtype=jnp.float32) * (1.0 / np.sqrt(4 * D))
    b2 = jnp.zeros((D,), dtype=jnp.float32)
    return {"edge_index": edge_index, "x_all": x_all, "ix": 0, "max_iter": 10,
            "W1": W1, "b1": b1, "W2": W2, "b2": b2}


def _gcn_conv(x, edge_index, W, b):
    # Faithful GCNConv: add self-loops, symmetric normalization, linear, scatter-add aggregate, bias.
    n = x.shape[0]
    loop = jnp.arange(n, dtype=edge_index.dtype)
    src = jnp.concatenate([edge_index[0], loop])
    dst = jnp.concatenate([edge_index[1], loop])
    deg = jnp.zeros((n,), dtype=x.dtype).at[dst].add(1.0)
    dinv = jnp.where(deg > 0, jax.lax.rsqrt(jnp.maximum(deg, 1e-12)), 0.0)
    norm = dinv[src] * dinv[dst]
    h = x @ W
    msg = h[src] * norm[:, None]
    out = jnp.zeros((n, W.shape[1]), dtype=x.dtype).at[dst].add(msg)
    return out + b


def reference(edge_index, x_all, ix, max_iter, W1, b1, W2, b2):
    # EAConv.forward: conv1 -> relu -> dropout (inactive in eval) -> conv2
    x = _gcn_conv(x_all, edge_index, W1, b1)
    z = jax.nn.relu(x)
    z = _gcn_conv(z, edge_index, W2, b2)
    return z

if __name__ == "__main__":
    import jax
    _d = setup_inputs()
    print(jax.jit(kernel)(*tuple(_d.values())))

</pallas_src>

<mosaic_0001>
#map = affine_map<(d0, d1) -> (0, 0, 0)>
#map1 = affine_map<(d0, d1) -> (0, 0)>
module attributes {stable_mosaic.version = 14 : i64} {
  func.func @_sc_agg(%arg0: i32, %arg1: i32, %arg2: memref<32x80x128xi32, #tpu.memory_space<hbm>>, %arg3: memref<32x80x128xi32, #tpu.memory_space<hbm>>, %arg4: memref<10000x128xf32, #tpu.memory_space<hbm>>, %arg5: memref<2x10240x128xf32, #tpu.memory_space<hbm>>, %arg6: memref<80x128xi32, #tpu.memory_space<vmem>>, %arg7: memref<80x128xi32, #tpu.memory_space<vmem>>, %arg8: memref<128xi32, #tpu.memory_space<vmem>>, %arg9: memref<128x128xf32, #tpu.memory_space<vmem>>, %arg10: memref<10240x128xf32, #tpu.memory_space<vmem_shared>>, %arg11: memref<!tpu.dma_semaphore, #tpu.memory_space<semaphore_mem>>) attributes {dimension_semantics = [#tpu.dimension_semantics<core_parallel>, #tpu.dimension_semantics<subcore_parallel>], iteration_bounds = array<i64: 2, 16>, scalar_prefetch = 0 : i64, scratch_operands = 6 : i64, tpu.core_type = #tpu.core_type<sc_vector_subcore>, window_params = [{transform_indices = #map}, {transform_indices = #map}, {transform_indices = #map1}, {transform_indices = #map}]} {
    %mul3A = arith.constant 16 : i32
    %mul3A_0 = arith.muli %arg0, %mul3A : i32
    %add3A = arith.addi %mul3A_0, %arg1 : i32
    "tpu.region"() ({
      %run_scoped3A = tpu.sem_alloc : memref<!tpu.dma_semaphore, #tpu.memory_space<semaphore_mem>>
      %dma_start3A = arith.constant 0 : i32
      %dma_start3A_54 = arith.constant 0 : i32
      %dma_start3A_55 = tpu.memref_slice %arg2[%add3A, %dma_start3A, %dma_start3A_54] : memref<32x80x128xi32, #tpu.memory_space<hbm>> -> memref<1x80x128xi32, #tpu.memory_space<hbm>>
      %dma_start3A_56 = tpu.memref_squeeze %dma_start3A_55 : memref<1x80x128xi32, #tpu.memory_space<hbm>> -> memref<80x128xi32, #tpu.memory_space<hbm>>
      %dma_start3A_57 = arith.constant 0 : i32
      %dma_start3A_58 = arith.constant 0 : i32
      %dma_start3A_59 = tpu.memref_slice %arg2[%add3A, %dma_start3A_57, %dma_start3A_58] : memref<32x80x128xi32, #tpu.memory_space<hbm>> -> memref<1x80x128xi32, #tpu.memory_space<hbm>>
      %dma_start3A_60 = tpu.memref_squeeze %dma_start3A_59 : memref<1x80x128xi32, #tpu.memory_space<hbm>> -> memref<80x128xi32, #tpu.memory_space<hbm>>
      tpu.enqueue_dma source(%dma_start3A_60 : memref<80x128xi32, #tpu.memory_space<hbm>>) target(%arg6 : memref<80x128xi32, #tpu.memory_space<vmem>>) target_semaphore(%run_scoped3A : memref<!tpu.dma_semaphore, #tpu.memory_space<semaphore_mem>>)
      %dma_wait3A = arith.constant 0 : i32
      %dma_wait3A_61 = arith.constant 0 : i32
      %dma_wait3A_62 = tpu.memref_slice %arg2[%add3A, %dma_wait3A, %dma_wait3A_61] : memref<32x80x128xi32, #tpu.memory_space<hbm>> -> memref<1x80x128xi32, #tpu.memory_space<hbm>>
      %dma_wait3A_63 = tpu.memref_squeeze %dma_wait3A_62 : memref<1x80x128xi32, #tpu.memory_space<hbm>> -> memref<80x128xi32, #tpu.memory_space<hbm>>
      %dma_wait3A_64 = arith.constant 0 : i32
      %dma_wait3A_65 = arith.constant 0 : i32
      %dma_wait3A_66 = tpu.memref_slice %arg2[%add3A, %dma_wait3A_64, %dma_wait3A_65] : memref<32x80x128xi32, #tpu.memory_space<hbm>> -> memref<1x80x128xi32, #tpu.memory_space<hbm>>
      %dma_wait3A_67 = tpu.memref_squeeze %dma_wait3A_66 : memref<1x80x128xi32, #tpu.memory_space<hbm>> -> memref<80x128xi32, #tpu.memory_space<hbm>>
      tpu.wait_dma2 semaphore(%run_scoped3A : memref<!tpu.dma_semaphore, #tpu.memory_space<semaphore_mem>>) src(%dma_wait3A_67 : memref<80x128xi32, #tpu.memory_space<hbm>>) dst(%arg6 : memref<80x128xi32, #tpu.memory_space<vmem>>)
      tpu.yield
    }) : () -> ()
    "tpu.region"() ({
      %run_scoped3A = tpu.sem_alloc : memref<!tpu.dma_semaphore, #tpu.memory_space<semaphore_mem>>
      %dma_start3A = arith.constant 0 : i32
      %dma_start3A_54 = arith.constant 0 : i32
      %dma_start3A_55 = tpu.memref_slice %arg3[%add3A, %dma_start3A, %dma_start3A_54] : memref<32x80x128xi32, #tpu.memory_space<hbm>> -> memref<1x80x128xi32, #tpu.memory_space<hbm>>
      %dma_start3A_56 = tpu.memref_squeeze %dma_start3A_55 : memref<1x80x128xi32, #tpu.memory_space<hbm>> -> memref<80x128xi32, #tpu.memory_space<hbm>>
      %dma_start3A_57 = arith.constant 0 : i32
      %dma_start3A_58 = arith.constant 0 : i32
      %dma_start3A_59 = tpu.memref_slice %arg3[%add3A, %dma_start3A_57, %dma_start3A_58] : memref<32x80x128xi32, #tpu.memory_space<hbm>> -> memref<1x80x128xi32, #tpu.memory_space<hbm>>
      %dma_start3A_60 = tpu.memref_squeeze %dma_start3A_59 : memref<1x80x128xi32, #tpu.memory_space<hbm>> -> memref<80x128xi32, #tpu.memory_space<hbm>>
      tpu.enqueue_dma source(%dma_start3A_60 : memref<80x128xi32, #tpu.memory_space<hbm>>) target(%arg7 : memref<80x128xi32, #tpu.memory_space<vmem>>) target_semaphore(%run_scoped3A : memref<!tpu.dma_semaphore, #tpu.memory_space<semaphore_mem>>)
      %dma_wait3A = arith.constant 0 : i32
      %dma_wait3A_61 = arith.constant 0 : i32
      %dma_wait3A_62 = tpu.memref_slice %arg3[%add3A, %dma_wait3A, %dma_wait3A_61] : memref<32x80x128xi32, #tpu.memory_space<hbm>> -> memref<1x80x128xi32, #tpu.memory_space<hbm>>
      %dma_wait3A_63 = tpu.memref_squeeze %dma_wait3A_62 : memref<1x80x128xi32, #tpu.memory_space<hbm>> -> memref<80x128xi32, #tpu.memory_space<hbm>>
      %dma_wait3A_64 = arith.constant 0 : i32
      %dma_wait3A_65 = arith.constant 0 : i32
      %dma_wait3A_66 = tpu.memref_slice %arg3[%add3A, %dma_wait3A_64, %dma_wait3A_65] : memref<32x80x128xi32, #tpu.memory_space<hbm>> -> memref<1x80x128xi32, #tpu.memory_space<hbm>>
      %dma_wait3A_67 = tpu.memref_squeeze %dma_wait3A_66 : memref<1x80x128xi32, #tpu.memory_space<hbm>> -> memref<80x128xi32, #tpu.memory_space<hbm>>
      tpu.wait_dma2 semaphore(%run_scoped3A : memref<!tpu.dma_semaphore, #tpu.memory_space<semaphore_mem>>) src(%dma_wait3A_67 : memref<80x128xi32, #tpu.memory_space<hbm>>) dst(%arg7 : memref<80x128xi32, #tpu.memory_space<vmem>>)
      tpu.yield
    }) : () -> ()
    %broadcast_in_dim3A = arith.constant 0.000000e+00 : f32
    %broadcast_in_dim3A_1 = vector.broadcast %broadcast_in_dim3A : f32 to vector<16xf32>
    %scan3A = arith.constant 0 : i32
    %scan3A_2 = arith.constant 0 : i32
    %scan3A_3 = arith.constant 128 : i32
    %scan3A_4 = arith.addi %scan3A_2, %scan3A_3 : i32
    %scan3A_5 = arith.constant 1 : i32
    scf.for %scan3A_54 = %scan3A_2 to %scan3A_4 step %scan3A_5  : i32 {
      %swap3A = arith.index_cast %scan3A_54 : i32 to index
      %swap3A_55 = arith.constant 0 : index
      %swap3A_56 = tpu.vector_load %arg9[%swap3A, %swap3A_55] {strides = array<i32>} : memref<128x128xf32, #tpu.memory_space<vmem>>, vector<16xf32>,
      tpu.vector_store %arg9[%swap3A, %swap3A_55], %broadcast_in_dim3A_1 {strides = array<i32>} : memref<128x128xf32, #tpu.memory_space<vmem>>, vector<16xf32>,
      %swap3A_57 = arith.index_cast %scan3A_54 : i32 to index
      %swap3A_58 = arith.constant 16 : index
      %swap3A_59 = tpu.vector_load %arg9[%swap3A_57, %swap3A_58] {strides = array<i32>} : memref<128x128xf32, #tpu.memory_space<vmem>>, vector<16xf32>,
      tpu.vector_store %arg9[%swap3A_57, %swap3A_58], %broadcast_in_dim3A_1 {strides = array<i32>} : memref<128x128xf32, #tpu.memory_space<vmem>>, vector<16xf32>,
      %swap3A_60 = arith.index_cast %scan3A_54 : i32 to index
      %swap3A_61 = arith.constant 32 : index
      %swap3A_62 = tpu.vector_load %arg9[%swap3A_60, %swap3A_61] {strides = array<i32>} : memref<128x128xf32, #tpu.memory_space<vmem>>, vector<16xf32>,
      tpu.vector_store %arg9[%swap3A_60, %swap3A_61], %broadcast_in_dim3A_1 {strides = array<i32>} : memref<128x128xf32, #tpu.memory_space<vmem>>, vector<16xf32>,
      %swap3A_63 = arith.index_cast %scan3A_54 : i32 to index
      %swap3A_64 = arith.constant 48 : index
      %swap3A_65 = tpu.vector_load %arg9[%swap3A_63, %swap3A_64] {strides = array<i32>} : memref<128x128xf32, #tpu.memory_space<vmem>>, vector<16xf32>,
      tpu.vector_store %arg9[%swap3A_63, %swap3A_64], %broadcast_in_dim3A_1 {strides = array<i32>} : memref<128x128xf32, #tpu.memory_space<vmem>>, vector<16xf32>,
      %swap3A_66 = arith.index_cast %scan3A_54 : i32 to index
      %swap3A_67 = arith.constant 64 : index
      %swap3A_68 = tpu.vector_load %arg9[%swap3A_66, %swap3A_67] {strides = array<i32>} : memref<128x128xf32, #tpu.memory_space<vmem>>, vector<16xf32>,
      tpu.vector_store %arg9[%swap3A_66, %swap3A_67], %broadcast_in_dim3A_1 {strides = array<i32>} : memref<128x128xf32, #tpu.memory_space<vmem>>, vector<16xf32>,
      %swap3A_69 = arith.index_cast %scan3A_54 : i32 to index
      %swap3A_70 = arith.constant 80 : index
      %swap3A_71 = tpu.vector_load %arg9[%swap3A_69, %swap3A_70] {strides = array<i32>} : memref<128x128xf32, #tpu.memory_space<vmem>>, vector<16xf32>,
      tpu.vector_store %arg9[%swap3A_69, %swap3A_70], %broadcast_in_dim3A_1 {strides = array<i32>} : memref<128x128xf32, #tpu.memory_space<vmem>>, vector<16xf32>,
      %swap3A_72 = arith.index_cast %scan3A_54 : i32 to index
      %swap3A_73 = arith.constant 96 : index
      %swap3A_74 = tpu.vector_load %arg9[%swap3A_72, %swap3A_73] {strides = array<i32>} : memref<128x128xf32, #tpu.memory_space<vmem>>, vector<16xf32>,
      tpu.vector_store %arg9[%swap3A_72, %swap3A_73], %broadcast_in_dim3A_1 {strides = array<i32>} : memref<128x128xf32, #tpu.memory_space<vmem>>, vector<16xf32>,
      %swap3A_75 = arith.index_cast %scan3A_54 : i32 to index
      %swap3A_76 = arith.constant 112 : index
      %swap3A_77 = tpu.vector_load %arg9[%swap3A_75, %swap3A_76] {strides = array<i32>} : memref<128x128xf32, #tpu.memory_space<vmem>>, vector<16xf32>,
      tpu.vector_store %arg9[%swap3A_75, %swap3A_76], %broadcast_in_dim3A_1 {strides = array<i32>} : memref<128x128xf32, #tpu.memory_space<vmem>>, vector<16xf32>,
    }
    %scan3A_6 = arith.constant 128 : i32
    %mul3A_7 = arith.constant 640 : i32
    %mul3A_8 = arith.muli %arg1, %mul3A_7 : i32
    %add3A_9 = arith.constant 0 : i32
    %add3A_10 = arith.addi %mul3A_8, %add3A_9 : i32
    "tpu.region"() ({
      %run_scoped3A = tpu.sem_alloc : memref<!tpu.dma_semaphore, #tpu.memory_space<semaphore_mem>>
      %dma_start3A = arith.constant 0 : i32
      %dma_start3A_54 = tpu.memref_slice %arg10[%add3A_10, %dma_start3A] : memref<10240x128xf32, #tpu.memory_space<vmem_shared>> -> memref<128x128xf32, #tpu.memory_space<vmem_shared>>
      %dma_start3A_55 = arith.constant 0 : i32
      %dma_start3A_56 = tpu.memref_slice %arg10[%add3A_10, %dma_start3A_55] : memref<10240x128xf32, #tpu.memory_space<vmem_shared>> -> memref<128x128xf32, #tpu.memory_space<vmem_shared>>
      tpu.enqueue_dma source(%arg9 : memref<128x128xf32, #tpu.memory_space<vmem>>) target(%dma_start3A_56 : memref<128x128xf32, #tpu.memory_space<vmem_shared>>) target_semaphore(%run_scoped3A : memref<!tpu.dma_semaphore, #tpu.memory_space<semaphore_mem>>)
      %dma_wait3A = arith.constant 0 : i32
      %dma_wait3A_57 = tpu.memref_slice %arg10[%add3A_10, %dma_wait3A] : memref<10240x128xf32, #tpu.memory_space<vmem_shared>> -> memref<128x128xf32, #tpu.memory_space<vmem_shared>>
      %dma_wait3A_58 = arith.constant 0 : i32
      %dma_wait3A_59 = tpu.memref_slice %arg10[%add3A_10, %dma_wait3A_58] : memref<10240x128xf32, #tpu.memory_space<vmem_shared>> -> memref<128x128xf32, #tpu.memory_space<vmem_shared>>
      tpu.wait_dma2 semaphore(%run_scoped3A : memref<!tpu.dma_semaphore, #tpu.memory_space<semaphore_mem>>) src(%arg9 : memref<128x128xf32, #tpu.memory_space<vmem>>) dst(%dma_wait3A_59 : memref<128x128xf32, #tpu.memory_space<vmem_shared>>)
      tpu.yield
    }) : () -> ()
    %mul3A_11 = arith.constant 640 : i32
    %mul3A_12 = arith.muli %arg1, %mul3A_11 : i32
    %add3A_13 = arith.constant 128 : i32
    %add3A_14 = arith.addi %mul3A_12, %add3A_13 : i32
    "tpu.region"() ({
      %run_scoped3A = tpu.sem_alloc : memref<!tpu.dma_semaphore, #tpu.memory_space<semaphore_mem>>
      %dma_start3A = arith.constant 0 : i32
      %dma_start3A_54 = tpu.memref_slice %arg10[%add3A_14, %dma_start3A] : memref<10240x128xf32, #tpu.memory_space<vmem_shared>> -> memref<128x128xf32, #tpu.memory_space<vmem_shared>>
      %dma_start3A_55 = arith.constant 0 : i32
      %dma_start3A_56 = tpu.memref_slice %arg10[%add3A_14, %dma_start3A_55] : memref<10240x128xf32, #tpu.memory_space<vmem_shared>> -> memref<128x128xf32, #tpu.memory_space<vmem_shared>>
      tpu.enqueue_dma source(%arg9 : memref<128x128xf32, #tpu.memory_space<vmem>>) target(%dma_start3A_56 : memref<128x128xf32, #tpu.memory_space<vmem_shared>>) target_semaphore(%run_scoped3A : memref<!tpu.dma_semaphore, #tpu.memory_space<semaphore_mem>>)
      %dma_wait3A = arith.constant 0 : i32
      %dma_wait3A_57 = tpu.memref_slice %arg10[%add3A_14, %dma_wait3A] : memref<10240x128xf32, #tpu.memory_space<vmem_shared>> -> memref<128x128xf32, #tpu.memory_space<vmem_shared>>
      %dma_wait3A_58 = arith.constant 0 : i32
      %dma_wait3A_59 = tpu.memref_slice %arg10[%add3A_14, %dma_wait3A_58] : memref<10240x128xf32, #tpu.memory_space<vmem_shared>> -> memref<128x128xf32, #tpu.memory_space<vmem_shared>>
      tpu.wait_dma2 semaphore(%run_scoped3A : memref<!tpu.dma_semaphore, #tpu.memory_space<semaphore_mem>>) src(%arg9 : memref<128x128xf32, #tpu.memory_space<vmem>>) dst(%dma_wait3A_59 : memref<128x128xf32, #tpu.memory_space<vmem_shared>>)
      tpu.yield
    }) : () -> ()
    %mul3A_15 = arith.constant 640 : i32
    %mul3A_16 = arith.muli %arg1, %mul3A_15 : i32
    %add3A_17 = arith.constant 256 : i32
    %add3A_18 = arith.addi %mul3A_16, %add3A_17 : i32
    "tpu.region"() ({
      %run_scoped3A = tpu.sem_alloc : memref<!tpu.dma_semaphore, #tpu.memory_space<semaphore_mem>>
      %dma_start3A = arith.constant 0 : i32
      %dma_start3A_54 = tpu.memref_slice %arg10[%add3A_18, %dma_start3A] : memref<10240x128xf32, #tpu.memory_space<vmem_shared>> -> memref<128x128xf32, #tpu.memory_space<vmem_shared>>
      %dma_start3A_55 = arith.constant 0 : i32
      %dma_start3A_56 = tpu.memref_slice %arg10[%add3A_18, %dma_start3A_55] : memref<10240x128xf32, #tpu.memory_space<vmem_shared>> -> memref<128x128xf32, #tpu.memory_space<vmem_shared>>
      tpu.enqueue_dma source(%arg9 : memref<128x128xf32, #tpu.memory_space<vmem>>) target(%dma_start3A_56 : memref<128x128xf32, #tpu.memory_space<vmem_shared>>) target_semaphore(%run_scoped3A : memref<!tpu.dma_semaphore, #tpu.memory_space<semaphore_mem>>)
      %dma_wait3A = arith.constant 0 : i32
      %dma_wait3A_57 = tpu.memref_slice %arg10[%add3A_18, %dma_wait3A] : memref<10240x128xf32, #tpu.memory_space<vmem_shared>> -> memref<128x128xf32, #tpu.memory_space<vmem_shared>>
      %dma_wait3A_58 = arith.constant 0 : i32
      %dma_wait3A_59 = tpu.memref_slice %arg10[%add3A_18, %dma_wait3A_58] : memref<10240x128xf32, #tpu.memory_space<vmem_shared>> -> memref<128x128xf32, #tpu.memory_space<vmem_shared>>
      tpu.wait_dma2 semaphore(%run_scoped3A : memref<!tpu.dma_semaphore, #tpu.memory_space<semaphore_mem>>) src(%arg9 : memref<128x128xf32, #tpu.memory_space<vmem>>) dst(%dma_wait3A_59 : memref<128x128xf32, #tpu.memory_space<vmem_shared>>)
      tpu.yield
    }) : () -> ()
    %mul3A_19 = arith.constant 640 : i32
    %mul3A_20 = arith.muli %arg1, %mul3A_19 : i32
    %add3A_21 = arith.constant 384 : i32
    %add3A_22 = arith.addi %mul3A_20, %add3A_21 : i32
    "tpu.region"() ({
      %run_scoped3A = tpu.sem_alloc : memref<!tpu.dma_semaphore, #tpu.memory_space<semaphore_mem>>
      %dma_start3A = arith.constant 0 : i32
      %dma_start3A_54 = tpu.memref_slice %arg10[%add3A_22, %dma_start3A] : memref<10240x128xf32, #tpu.memory_space<vmem_shared>> -> memref<128x128xf32, #tpu.memory_space<vmem_shared>>
      %dma_start3A_55 = arith.constant 0 : i32
      %dma_start3A_56 = tpu.memref_slice %arg10[%add3A_22, %dma_start3A_55] : memref<10240x128xf32, #tpu.memory_space<vmem_shared>> -> memref<128x128xf32, #tpu.memory_space<vmem_shared>>
      tpu.enqueue_dma source(%arg9 : memref<128x128xf32, #tpu.memory_space<vmem>>) target(%dma_start3A_56 : memref<128x128xf32, #tpu.memory_space<vmem_shared>>) target_semaphore(%run_scoped3A : memref<!tpu.dma_semaphore, #tpu.memory_space<semaphore_mem>>)
      %dma_wait3A = arith.constant 0 : i32
      %dma_wait3A_57 = tpu.memref_slice %arg10[%add3A_22, %dma_wait3A] : memref<10240x128xf32, #tpu.memory_space<vmem_shared>> -> memref<128x128xf32, #tpu.memory_space<vmem_shared>>
      %dma_wait3A_58 = arith.constant 0 : i32
      %dma_wait3A_59 = tpu.memref_slice %arg10[%add3A_22, %dma_wait3A_58] : memref<10240x128xf32, #tpu.memory_space<vmem_shared>> -> memref<128x128xf32, #tpu.memory_space<vmem_shared>>
      tpu.wait_dma2 semaphore(%run_scoped3A : memref<!tpu.dma_semaphore, #tpu.memory_space<semaphore_mem>>) src(%arg9 : memref<128x128xf32, #tpu.memory_space<vmem>>) dst(%dma_wait3A_59 : memref<128x128xf32, #tpu.memory_space<vmem_shared>>)
      tpu.yield
    }) : () -> ()
    %mul3A_23 = arith.constant 640 : i32
    %mul3A_24 = arith.muli %arg1, %mul3A_23 : i32
    %add3A_25 = arith.constant 512 : i32
    %add3A_26 = arith.addi %mul3A_24, %add3A_25 : i32
    "tpu.region"() ({
      %run_scoped3A = tpu.sem_alloc : memref<!tpu.dma_semaphore, #tpu.memory_space<semaphore_mem>>
      %dma_start3A = arith.constant 0 : i32
      %dma_start3A_54 = tpu.memref_slice %arg10[%add3A_26, %dma_start3A] : memref<10240x128xf32, #tpu.memory_space<vmem_shared>> -> memref<128x128xf32, #tpu.memory_space<vmem_shared>>
      %dma_start3A_55 = arith.constant 0 : i32
      %dma_start3A_56 = tpu.memref_slice %arg10[%add3A_26, %dma_start3A_55] : memref<10240x128xf32, #tpu.memory_space<vmem_shared>> -> memref<128x128xf32, #tpu.memory_space<vmem_shared>>
      tpu.enqueue_dma source(%arg9 : memref<128x128xf32, #tpu.memory_space<vmem>>) target(%dma_start3A_56 : memref<128x128xf32, #tpu.memory_space<vmem_shared>>) target_semaphore(%run_scoped3A : memref<!tpu.dma_semaphore, #tpu.memory_space<semaphore_mem>>)
      %dma_wait3A = arith.constant 0 : i32
      %dma_wait3A_57 = tpu.memref_slice %arg10[%add3A_26, %dma_wait3A] : memref<10240x128xf32, #tpu.memory_space<vmem_shared>> -> memref<128x128xf32, #tpu.memory_space<vmem_shared>>
      %dma_wait3A_58 = arith.constant 0 : i32
      %dma_wait3A_59 = tpu.memref_slice %arg10[%add3A_26, %dma_wait3A_58] : memref<10240x128xf32, #tpu.memory_space<vmem_shared>> -> memref<128x128xf32, #tpu.memory_space<vmem_shared>>
      tpu.wait_dma2 semaphore(%run_scoped3A : memref<!tpu.dma_semaphore, #tpu.memory_space<semaphore_mem>>) src(%arg9 : memref<128x128xf32, #tpu.memory_space<vmem>>) dst(%dma_wait3A_59 : memref<128x128xf32, #tpu.memory_space<vmem_shared>>)
      tpu.yield
    }) : () -> ()
    %barrier3A = arith.constant 0 : index
    tpu.barrier barrier_id(%barrier3A)
    %scan3A_27 = arith.constant 0 : i32
    %scan3A_28 = arith.constant 0 : i32
    %scan3A_29 = arith.constant 80 : i32
    %scan3A_30 = arith.addi %scan3A_28, %scan3A_29 : i32
    %scan3A_31 = arith.constant 1 : i32
    scf.for %scan3A_54 = %scan3A_28 to %scan3A_30 step %scan3A_31  : i32 {
      %dma_start3A = arith.constant 0 : i32
      %dma_start3A_55 = tpu.memref_slice %arg6[%scan3A_54, %dma_start3A] : memref<80x128xi32, #tpu.memory_space<vmem>> -> memref<1x128xi32, #tpu.memory_space<vmem>>
      %dma_start3A_56 = tpu.memref_squeeze %dma_start3A_55 : memref<1x128xi32, #tpu.memory_space<vmem>> -> memref<128xi32, #tpu.memory_space<vmem>>
      %dma_start3A_57 = arith.constant 0 : i32
      %dma_start3A_58 = arith.constant 0 : i32
      %dma_start3A_59 = tpu.memref_slice %arg4[%dma_start3A_57, %dma_start3A_58] : memref<10000x128xf32, #tpu.memory_space<hbm>> -> memref<10000x128xf32, #tpu.memory_space<hbm>>
      tpu.enqueue_indirect_dma source(%dma_start3A_59 : memref<10000x128xf32, #tpu.memory_space<hbm>>) target(%arg9 : memref<128x128xf32, #tpu.memory_space<vmem>>) offsets(%dma_start3A_56 : memref<128xi32, #tpu.memory_space<vmem>>) semaphore(%arg11 : memref<!tpu.dma_semaphore, #tpu.memory_space<semaphore_mem>>)
      %dma_wait3A = arith.constant 0 : i32
      %dma_wait3A_60 = tpu.memref_slice %arg6[%scan3A_54, %dma_wait3A] : memref<80x128xi32, #tpu.memory_space<vmem>> -> memref<1x128xi32, #tpu.memory_space<vmem>>
      %dma_wait3A_61 = tpu.memref_squeeze %dma_wait3A_60 : memref<1x128xi32, #tpu.memory_space<vmem>> -> memref<128xi32, #tpu.memory_space<vmem>>
      %dma_wait3A_62 = arith.constant 0 : i32
      %dma_wait3A_63 = arith.constant 0 : i32
      %dma_wait3A_64 = tpu.memref_slice %arg4[%dma_wait3A_62, %dma_wait3A_63] : memref<10000x128xf32, #tpu.memory_space<hbm>> -> memref<10000x128xf32, #tpu.memory_space<hbm>>
      tpu.wait_indirect_dma semaphore(%arg11 : memref<!tpu.dma_semaphore, #tpu.memory_space<semaphore_mem>>) src(%dma_wait3A_64 : memref<10000x128xf32, #tpu.memory_space<hbm>>) dst(%arg9 : memref<128x128xf32, #tpu.memory_space<vmem>>)
      %get3A = arith.index_cast %scan3A_54 : i32 to index
      %get3A_65 = arith.constant 0 : index
      %get3A_66 = tpu.vector_load %arg7[%get3A, %get3A_65] {strides = array<i32>} : memref<80x128xi32, #tpu.memory_space<vmem>>, vector<16xi32>,
      %swap3A = arith.constant 0 : index
      %swap3A_67 = tpu.vector_load %arg8[%swap3A] {strides = array<i32>} : memref<128xi32, #tpu.memory_space<vmem>>, vector<16xi32>,
      tpu.vector_store %arg8[%swap3A], %get3A_66 {strides = array<i32>} : memref<128xi32, #tpu.memory_space<vmem>>, vector<16xi32>,
      %get3A_68 = arith.index_cast %scan3A_54 : i32 to index
      %get3A_69 = arith.constant 16 : index
      %get3A_70 = tpu.vector_load %arg7[%get3A_68, %get3A_69] {strides = array<i32>} : memref<80x128xi32, #tpu.memory_space<vmem>>, vector<16xi32>,
      %swap3A_71 = arith.constant 16 : index
      %swap3A_72 = tpu.vector_load %arg8[%swap3A_71] {strides = array<i32>} : memref<128xi32, #tpu.memory_space<vmem>>, vector<16xi32>,
      tpu.vector_store %arg8[%swap3A_71], %get3A_70 {strides = array<i32>} : memref<128xi32, #tpu.memory_space<vmem>>, vector<16xi32>,
      %get3A_73 = arith.index_cast %scan3A_54 : i32 to index
      %get3A_74 = arith.constant 32 : index
      %get3A_75 = tpu.vector_load %arg7[%get3A_73, %get3A_74] {strides = array<i32>} : memref<80x128xi32, #tpu.memory_space<vmem>>, vector<16xi32>,
      %swap3A_76 = arith.constant 32 : index
      %swap3A_77 = tpu.vector_load %arg8[%swap3A_76] {strides = array<i32>} : memref<128xi32, #tpu.memory_space<vmem>>, vector<16xi32>,
      tpu.vector_store %arg8[%swap3A_76], %get3A_75 {strides = array<i32>} : memref<128xi32, #tpu.memory_space<vmem>>, vector<16xi32>,
      %get3A_78 = arith.index_cast %scan3A_54 : i32 to index
      %get3A_79 = arith.constant 48 : index
      %get3A_80 = tpu.vector_load %arg7[%get3A_78, %get3A_79] {strides = array<i32>} : memref<80x128xi32, #tpu.memory_space<vmem>>, vector<16xi32>,
      %swap3A_81 = arith.constant 48 : index
      %swap3A_82 = tpu.vector_load %arg8[%swap3A_81] {strides = array<i32>} : memref<128xi32, #tpu.memory_space<vmem>>, vector<16xi32>,
      tpu.vector_store %arg8[%swap3A_81], %get3A_80 {strides = array<i32>} : memref<128xi32, #tpu.memory_space<vmem>>, vector<16xi32>,
      %get3A_83 = arith.index_cast %scan3A_54 : i32 to index
      %get3A_84 = arith.constant 64 : index
      %get3A_85 = tpu.vector_load %arg7[%get3A_83, %get3A_84] {strides = array<i32>} : memref<80x128xi32, #tpu.memory_space<vmem>>, vector<16xi32>,
      %swap3A_86 = arith.constant 64 : index
      %swap3A_87 = tpu.vector_load %arg8[%swap3A_86] {strides = array<i32>} : memref<128xi32, #tpu.memory_space<vmem>>, vector<16xi32>,
      tpu.vector_store %arg8[%swap3A_86], %get3A_85 {strides = array<i32>} : memref<128xi32, #tpu.memory_space<vmem>>, vector<16xi32>,
      %get3A_88 = arith.index_cast %scan3A_54 : i32 to index
      %get3A_89 = arith.constant 80 : index
      %get3A_90 = tpu.vector_load %arg7[%get3A_88, %get3A_89] {strides = array<i32>} : memref<80x128xi32, #tpu.memory_space<vmem>>, vector<16xi32>,
      %swap3A_91 = arith.constant 80 : index
      %swap3A_92 = tpu.vector_load %arg8[%swap3A_91] {strides = array<i32>} : memref<128xi32, #tpu.memory_space<vmem>>, vector<16xi32>,
      tpu.vector_store %arg8[%swap3A_91], %get3A_90 {strides = array<i32>} : memref<128xi32, #tpu.memory_space<vmem>>, vector<16xi32>,
      %get3A_93 = arith.index_cast %scan3A_54 : i32 to index
      %get3A_94 = arith.constant 96 : index
      %get3A_95 = tpu.vector_load %arg7[%get3A_93, %get3A_94] {strides = array<i32>} : memref<80x128xi32, #tpu.memory_space<vmem>>, vector<16xi32>,
      %swap3A_96 = arith.constant 96 : index
      %swap3A_97 = tpu.vector_load %arg8[%swap3A_96] {strides = array<i32>} : memref<128xi32, #tpu.memory_space<vmem>>, vector<16xi32>,
      tpu.vector_store %arg8[%swap3A_96], %get3A_95 {strides = array<i32>} : memref<128xi32, #tpu.memory_space<vmem>>, vector<16xi32>,
      %get3A_98 = arith.index_cast %scan3A_54 : i32 to index
      %get3A_99 = arith.constant 112 : index
      %get3A_100 = tpu.vector_load %arg7[%get3A_98, %get3A_99] {strides = array<i32>} : memref<80x128xi32, #tpu.memory_space<vmem>>, vector<16xi32>,
      %swap3A_101 = arith.constant 112 : index
      %swap3A_102 = tpu.vector_load %arg8[%swap3A_101] {strides = array<i32>} : memref<128xi32, #tpu.memory_space<vmem>>, vector<16xi32>,
      tpu.vector_store %arg8[%swap3A_101], %get3A_100 {strides = array<i32>} : memref<128xi32, #tpu.memory_space<vmem>>, vector<16xi32>,
      "tpu.region"() ({
        %run_scoped3A = tpu.sem_alloc : memref<!tpu.dma_semaphore, #tpu.memory_space<semaphore_mem>>
        %dma_start3A_103 = arith.constant 0 : i32
        %dma_start3A_104 = arith.constant 0 : i32
        %dma_start3A_105 = tpu.memref_slice %arg10[%dma_start3A_103, %dma_start3A_104] : memref<10240x128xf32, #tpu.memory_space<vmem_shared>> -> memref<10240x128xf32, #tpu.memory_space<vmem_shared>>
        tpu.enqueue_indirect_dma source(%arg9 : memref<128x128xf32, #tpu.memory_space<vmem>>) target(%dma_start3A_105 : memref<10240x128xf32, #tpu.memory_space<vmem_shared>>) offsets(%arg8 : memref<128xi32, #tpu.memory_space<vmem>>) semaphore(%run_scoped3A : memref<!tpu.dma_semaphore, #tpu.memory_space<semaphore_mem>>) {add = true}
        %dma_wait3A_106 = arith.constant 0 : i32
        %dma_wait3A_107 = arith.constant 0 : i32
        %dma_wait3A_108 = tpu.memref_slice %arg10[%dma_wait3A_106, %dma_wait3A_107] : memref<10240x128xf32, #tpu.memory_space<vmem_shared>> -> memref<10240x128xf32, #tpu.memory_space<vmem_shared>>
        tpu.wait_indirect_dma semaphore(%run_scoped3A : memref<!tpu.dma_semaphore, #tpu.memory_space<semaphore_mem>>) src(%arg9 : memref<128x128xf32, #tpu.memory_space<vmem>>) dst(%dma_wait3A_108 : memref<10240x128xf32, #tpu.memory_space<vmem_shared>>)
        tpu.yield
      }) : () -> ()
    }
    %scan3A_32 = arith.constant 80 : i32
    %barrier3A_33 = arith.constant 0 : index
    tpu.barrier barrier_id(%barrier3A_33)
    %mul3A_34 = arith.constant 640 : i32
    %mul3A_35 = arith.muli %arg1, %mul3A_34 : i32
    %add3A_36 = arith.constant 0 : i32
    %add3A_37 = arith.addi %mul3A_35, %add3A_36 : i32
    "tpu.region"() ({
      %run_scoped3A = tpu.sem_alloc : memref<!tpu.dma_semaphore, #tpu.memory_space<semaphore_mem>>
      %dma_start3A = arith.constant 0 : i32
      %dma_start3A_54 = tpu.memref_slice %arg5[%arg0, %add3A_37, %dma_start3A] : memref<2x10240x128xf32, #tpu.memory_space<hbm>> -> memref<1x128x128xf32, #tpu.memory_space<hbm>>
      %dma_start3A_55 = tpu.memref_squeeze %dma_start3A_54 : memref<1x128x128xf32, #tpu.memory_space<hbm>> -> memref<128x128xf32, #tpu.memory_space<hbm>>
      %dma_start3A_56 = arith.constant 0 : i32
      %dma_start3A_57 = tpu.memref_slice %arg10[%add3A_37, %dma_start3A_56] : memref<10240x128xf32, #tpu.memory_space<vmem_shared>> -> memref<128x128xf32, #tpu.memory_space<vmem_shared>>
      tpu.enqueue_dma source(%dma_start3A_57 : memref<128x128xf32, #tpu.memory_space<vmem_shared>>) target(%dma_start3A_55 : memref<128x128xf32, #tpu.memory_space<hbm>>) target_semaphore(%run_scoped3A : memref<!tpu.dma_semaphore, #tpu.memory_space<semaphore_mem>>)
      %dma_wait3A = arith.constant 0 : i32
      %dma_wait3A_58 = tpu.memref_slice %arg5[%arg0, %add3A_37, %dma_wait3A] : memref<2x10240x128xf32, #tpu.memory_space<hbm>> -> memref<1x128x128xf32, #tpu.memory_space<hbm>>
      %dma_wait3A_59 = tpu.memref_squeeze %dma_wait3A_58 : memref<1x128x128xf32, #tpu.memory_space<hbm>> -> memref<128x128xf32, #tpu.memory_space<hbm>>
      %dma_wait3A_60 = arith.constant 0 : i32
      %dma_wait3A_61 = tpu.memref_slice %arg10[%add3A_37, %dma_wait3A_60] : memref<10240x128xf32, #tpu.memory_space<vmem_shared>> -> memref<128x128xf32, #tpu.memory_space<vmem_shared>>
      tpu.wait_dma2 semaphore(%run_scoped3A : memref<!tpu.dma_semaphore, #tpu.memory_space<semaphore_mem>>) src(%dma_wait3A_61 : memref<128x128xf32, #tpu.memory_space<vmem_shared>>) dst(%dma_wait3A_59 : memref<128x128xf32, #tpu.memory_space<hbm>>)
      tpu.yield
    }) : () -> ()
    %mul3A_38 = arith.constant 640 : i32
    %mul3A_39 = arith.muli %arg1, %mul3A_38 : i32
    %add3A_40 = arith.constant 128 : i32
    %add3A_41 = arith.addi %mul3A_39, %add3A_40 : i32
    "tpu.region"() ({
      %run_scoped3A = tpu.sem_alloc : memref<!tpu.dma_semaphore, #tpu.memory_space<semaphore_mem>>
      %dma_start3A = arith.constant 0 : i32
      %dma_start3A_54 = tpu.memref_slice %arg5[%arg0, %add3A_41, %dma_start3A] : memref<2x10240x128xf32, #tpu.memory_space<hbm>> -> memref<1x128x128xf32, #tpu.memory_space<hbm>>
      %dma_start3A_55 = tpu.memref_squeeze %dma_start3A_54 : memref<1x128x128xf32, #tpu.memory_space<hbm>> -> memref<128x128xf32, #tpu.memory_space<hbm>>
      %dma_start3A_56 = arith.constant 0 : i32
      %dma_start3A_57 = tpu.memref_slice %arg10[%add3A_41, %dma_start3A_56] : memref<10240x128xf32, #tpu.memory_space<vmem_shared>> -> memref<128x128xf32, #tpu.memory_space<vmem_shared>>
      tpu.enqueue_dma source(%dma_start3A_57 : memref<128x128xf32, #tpu.memory_space<vmem_shared>>) target(%dma_start3A_55 : memref<128x128xf32, #tpu.memory_space<hbm>>) target_semaphore(%run_scoped3A : memref<!tpu.dma_semaphore, #tpu.memory_space<semaphore_mem>>)
      %dma_wait3A = arith.constant 0 : i32
      %dma_wait3A_58 = tpu.memref_slice %arg5[%arg0, %add3A_41, %dma_wait3A] : memref<2x10240x128xf32, #tpu.memory_space<hbm>> -> memref<1x128x128xf32, #tpu.memory_space<hbm>>
      %dma_wait3A_59 = tpu.memref_squeeze %dma_wait3A_58 : memref<1x128x128xf32, #tpu.memory_space<hbm>> -> memref<128x128xf32, #tpu.memory_space<hbm>>
      %dma_wait3A_60 = arith.constant 0 : i32
      %dma_wait3A_61 = tpu.memref_slice %arg10[%add3A_41, %dma_wait3A_60] : memref<10240x128xf32, #tpu.memory_space<vmem_shared>> -> memref<128x128xf32, #tpu.memory_space<vmem_shared>>
      tpu.wait_dma2 semaphore(%run_scoped3A : memref<!tpu.dma_semaphore, #tpu.memory_space<semaphore_mem>>) src(%dma_wait3A_61 : memref<128x128xf32, #tpu.memory_space<vmem_shared>>) dst(%dma_wait3A_59 : memref<128x128xf32, #tpu.memory_space<hbm>>)
      tpu.yield
    }) : () -> ()
    %mul3A_42 = arith.constant 640 : i32
    %mul3A_43 = arith.muli %arg1, %mul3A_42 : i32
    %add3A_44 = arith.constant 256 : i32
    %add3A_45 = arith.addi %mul3A_43, %add3A_44 : i32
    "tpu.region"() ({
      %run_scoped3A = tpu.sem_alloc : memref<!tpu.dma_semaphore, #tpu.memory_space<semaphore_mem>>
      %dma_start3A = arith.constant 0 : i32
      %dma_start3A_54 = tpu.memref_slice %arg5[%arg0, %add3A_45, %dma_start3A] : memref<2x10240x128xf32, #tpu.memory_space<hbm>> -> memref<1x128x128xf32, #tpu.memory_space<hbm>>
      %dma_start3A_55 = tpu.memref_squeeze %dma_start3A_54 : memref<1x128x128xf32, #tpu.memory_space<hbm>> -> memref<128x128xf32, #tpu.memory_space<hbm>>
      %dma_start3A_56 = arith.constant 0 : i32
      %dma_start3A_57 = tpu.memref_slice %arg10[%add3A_45, %dma_start3A_56] : memref<10240x128xf32, #tpu.memory_space<vmem_shared>> -> memref<128x128xf32, #tpu.memory_space<vmem_shared>>
      tpu.enqueue_dma source(%dma_start3A_57 : memref<128x128xf32, #tpu.memory_space<vmem_shared>>) target(%dma_start3A_55 : memref<128x128xf32, #tpu.memory_space<hbm>>) target_semaphore(%run_scoped3A : memref<!tpu.dma_semaphore, #tpu.memory_space<semaphore_mem>>)
      %dma_wait3A = arith.constant 0 : i32
      %dma_wait3A_58 = tpu.memref_slice %arg5[%arg0, %add3A_45, %dma_wait3A] : memref<2x10240x128xf32, #tpu.memory_space<hbm>> -> memref<1x128x128xf32, #tpu.memory_space<hbm>>
      %dma_wait3A_59 = tpu.memref_squeeze %dma_wait3A_58 : memref<1x128x128xf32, #tpu.memory_space<hbm>> -> memref<128x128xf32, #tpu.memory_space<hbm>>
      %dma_wait3A_60 = arith.constant 0 : i32
      %dma_wait3A_61 = tpu.memref_slice %arg10[%add3A_45, %dma_wait3A_60] : memref<10240x128xf32, #tpu.memory_space<vmem_shared>> -> memref<128x128xf32, #tpu.memory_space<vmem_shared>>
      tpu.wait_dma2 semaphore(%run_scoped3A : memref<!tpu.dma_semaphore, #tpu.memory_space<semaphore_mem>>) src(%dma_wait3A_61 : memref<128x128xf32, #tpu.memory_space<vmem_shared>>) dst(%dma_wait3A_59 : memref<128x128xf32, #tpu.memory_space<hbm>>)
      tpu.yield
    }) : () -> ()
    %mul3A_46 = arith.constant 640 : i32
    %mul3A_47 = arith.muli %arg1, %mul3A_46 : i32
    %add3A_48 = arith.constant 384 : i32
    %add3A_49 = arith.addi %mul3A_47, %add3A_48 : i32
    "tpu.region"() ({
      %run_scoped3A = tpu.sem_alloc : memref<!tpu.dma_semaphore, #tpu.memory_space<semaphore_mem>>
      %dma_start3A = arith.constant 0 : i32
      %dma_start3A_54 = tpu.memref_slice %arg5[%arg0, %add3A_49, %dma_start3A] : memref<2x10240x128xf32, #tpu.memory_space<hbm>> -> memref<1x128x128xf32, #tpu.memory_space<hbm>>
      %dma_start3A_55 = tpu.memref_squeeze %dma_start3A_54 : memref<1x128x128xf32, #tpu.memory_space<hbm>> -> memref<128x128xf32, #tpu.memory_space<hbm>>
      %dma_start3A_56 = arith.constant 0 : i32
      %dma_start3A_57 = tpu.memref_slice %arg10[%add3A_49, %dma_start3A_56] : memref<10240x128xf32, #tpu.memory_space<vmem_shared>> -> memref<128x128xf32, #tpu.memory_space<vmem_shared>>
      tpu.enqueue_dma source(%dma_start3A_57 : memref<128x128xf32, #tpu.memory_space<vmem_shared>>) target(%dma_start3A_55 : memref<128x128xf32, #tpu.memory_space<hbm>>) target_semaphore(%run_scoped3A : memref<!tpu.dma_semaphore, #tpu.memory_space<semaphore_mem>>)
      %dma_wait3A = arith.constant 0 : i32
      %dma_wait3A_58 = tpu.memref_slice %arg5[%arg0, %add3A_49, %dma_wait3A] : memref<2x10240x128xf32, #tpu.memory_space<hbm>> -> memref<1x128x128xf32, #tpu.memory_space<hbm>>
      %dma_wait3A_59 = tpu.memref_squeeze %dma_wait3A_58 : memref<1x128x128xf32, #tpu.memory_space<hbm>> -> memref<128x128xf32, #tpu.memory_space<hbm>>
      %dma_wait3A_60 = arith.constant 0 : i32
      %dma_wait3A_61 = tpu.memref_slice %arg10[%add3A_49, %dma_wait3A_60] : memref<10240x128xf32, #tpu.memory_space<vmem_shared>> -> memref<128x128xf32, #tpu.memory_space<vmem_shared>>
      tpu.wait_dma2 semaphore(%run_scoped3A : memref<!tpu.dma_semaphore, #tpu.memory_space<semaphore_mem>>) src(%dma_wait3A_61 : memref<128x128xf32, #tpu.memory_space<vmem_shared>>) dst(%dma_wait3A_59 : memref<128x128xf32, #tpu.memory_space<hbm>>)
      tpu.yield
    }) : () -> ()
    %mul3A_50 = arith.constant 640 : i32
    %mul3A_51 = arith.muli %arg1, %mul3A_50 : i32
    %add3A_52 = arith.constant 512 : i32
    %add3A_53 = arith.addi %mul3A_51, %add3A_52 : i32
    "tpu.region"() ({
      %run_scoped3A = tpu.sem_alloc : memref<!tpu.dma_semaphore, #tpu.memory_space<semaphore_mem>>
      %dma_start3A = arith.constant 0 : i32
      %dma_start3A_54 = tpu.memref_slice %arg5[%arg0, %add3A_53, %dma_start3A] : memref<2x10240x128xf32, #tpu.memory_space<hbm>> -> memref<1x128x128xf32, #tpu.memory_space<hbm>>
      %dma_start3A_55 = tpu.memref_squeeze %dma_start3A_54 : memref<1x128x128xf32, #tpu.memory_space<hbm>> -> memref<128x128xf32, #tpu.memory_space<hbm>>
      %dma_start3A_56 = arith.constant 0 : i32
      %dma_start3A_57 = tpu.memref_slice %arg10[%add3A_53, %dma_start3A_56] : memref<10240x128xf32, #tpu.memory_space<vmem_shared>> -> memref<128x128xf32, #tpu.memory_space<vmem_shared>>
      tpu.enqueue_dma source(%dma_start3A_57 : memref<128x128xf32, #tpu.memory_space<vmem_shared>>) target(%dma_start3A_55 : memref<128x128xf32, #tpu.memory_space<hbm>>) target_semaphore(%run_scoped3A : memref<!tpu.dma_semaphore, #tpu.memory_space<semaphore_mem>>)
      %dma_wait3A = arith.constant 0 : i32
      %dma_wait3A_58 = tpu.memref_slice %arg5[%arg0, %add3A_53, %dma_wait3A] : memref<2x10240x128xf32, #tpu.memory_space<hbm>> -> memref<1x128x128xf32, #tpu.memory_space<hbm>>
      %dma_wait3A_59 = tpu.memref_squeeze %dma_wait3A_58 : memref<1x128x128xf32, #tpu.memory_space<hbm>> -> memref<128x128xf32, #tpu.memory_space<hbm>>
      %dma_wait3A_60 = arith.constant 0 : i32
      %dma_wait3A_61 = tpu.memref_slice %arg10[%add3A_53, %dma_wait3A_60] : memref<10240x128xf32, #tpu.memory_space<vmem_shared>> -> memref<128x128xf32, #tpu.memory_space<vmem_shared>>
      tpu.wait_dma2 semaphore(%run_scoped3A : memref<!tpu.dma_semaphore, #tpu.memory_space<semaphore_mem>>) src(%dma_wait3A_61 : memref<128x128xf32, #tpu.memory_space<vmem_shared>>) dst(%dma_wait3A_59 : memref<128x128xf32, #tpu.memory_space<hbm>>)
      tpu.yield
    }) : () -> ()
    return
  }
}

#map = affine_map<(d0, d1) -> (0, 0, 0)>
#map1 = affine_map<(d0, d1) -> (0, 0)>
module attributes {stable_mosaic.version = 14 : i64} {
  func.func @_sc_hist(%arg0: i32, %arg1: i32, %arg2: memref<32x80x128xi32, #tpu.memory_space<hbm>>, %arg3: memref<32x10240xf32, #tpu.memory_space<hbm>>, %arg4: memref<80x128xi32, #tpu.memory_space<vmem>>, %arg5: memref<10240xf32, #tpu.memory_space<vmem>>) attributes {dimension_semantics = [#tpu.dimension_semantics<core_parallel>, #tpu.dimension_semantics<subcore_parallel>], iteration_bounds = array<i64: 2, 16>, scalar_prefetch = 0 : i64, scratch_operands = 2 : i64, tpu.core_type = #tpu.core_type<sc_vector_subcore>, window_params = [{transform_indices = #map}, {transform_indices = #map1}]} {
    %mul3A = arith.constant 16 : i32
    %mul3A_0 = arith.muli %arg0, %mul3A : i32
    %add3A = arith.addi %mul3A_0, %arg1 : i32
    "tpu.region"() ({
      %run_scoped3A = tpu.sem_alloc : memref<!tpu.dma_semaphore, #tpu.memory_space<semaphore_mem>>
      %dma_start3A = arith.constant 0 : i32
      %dma_start3A_15 = arith.constant 0 : i32
      %dma_start3A_16 = tpu.memref_slice %arg2[%add3A, %dma_start3A, %dma_start3A_15] : memref<32x80x128xi32, #tpu.memory_space<hbm>> -> memref<1x80x128xi32, #tpu.memory_space<hbm>>
      %dma_start3A_17 = tpu.memref_squeeze %dma_start3A_16 : memref<1x80x128xi32, #tpu.memory_space<hbm>> -> memref<80x128xi32, #tpu.memory_space<hbm>>
      %dma_start3A_18 = arith.constant 0 : i32
      %dma_start3A_19 = arith.constant 0 : i32
      %dma_start3A_20 = tpu.memref_slice %arg2[%add3A, %dma_start3A_18, %dma_start3A_19] : memref<32x80x128xi32, #tpu.memory_space<hbm>> -> memref<1x80x128xi32, #tpu.memory_space<hbm>>
      %dma_start3A_21 = tpu.memref_squeeze %dma_start3A_20 : memref<1x80x128xi32, #tpu.memory_space<hbm>> -> memref<80x128xi32, #tpu.memory_space<hbm>>
      tpu.enqueue_dma source(%dma_start3A_21 : memref<80x128xi32, #tpu.memory_space<hbm>>) target(%arg4 : memref<80x128xi32, #tpu.memory_space<vmem>>) target_semaphore(%run_scoped3A : memref<!tpu.dma_semaphore, #tpu.memory_space<semaphore_mem>>)
      %dma_wait3A = arith.constant 0 : i32
      %dma_wait3A_22 = arith.constant 0 : i32
      %dma_wait3A_23 = tpu.memref_slice %arg2[%add3A, %dma_wait3A, %dma_wait3A_22] : memref<32x80x128xi32, #tpu.memory_space<hbm>> -> memref<1x80x128xi32, #tpu.memory_space<hbm>>
      %dma_wait3A_24 = tpu.memref_squeeze %dma_wait3A_23 : memref<1x80x128xi32, #tpu.memory_space<hbm>> -> memref<80x128xi32, #tpu.memory_space<hbm>>
      %dma_wait3A_25 = arith.constant 0 : i32
      %dma_wait3A_26 = arith.constant 0 : i32
      %dma_wait3A_27 = tpu.memref_slice %arg2[%add3A, %dma_wait3A_25, %dma_wait3A_26] : memref<32x80x128xi32, #tpu.memory_space<hbm>> -> memref<1x80x128xi32, #tpu.memory_space<hbm>>
      %dma_wait3A_28 = tpu.memref_squeeze %dma_wait3A_27 : memref<1x80x128xi32, #tpu.memory_space<hbm>> -> memref<80x128xi32, #tpu.memory_space<hbm>>
      tpu.wait_dma2 semaphore(%run_scoped3A : memref<!tpu.dma_semaphore, #tpu.memory_space<semaphore_mem>>) src(%dma_wait3A_28 : memref<80x128xi32, #tpu.memory_space<hbm>>) dst(%arg4 : memref<80x128xi32, #tpu.memory_space<vmem>>)
      tpu.yield
    }) : () -> ()
    %broadcast_in_dim3A = arith.constant 0.000000e+00 : f32
    %broadcast_in_dim3A_1 = vector.broadcast %broadcast_in_dim3A : f32 to vector<16xf32>
    %scan3A = arith.constant 0 : i32
    %scan3A_2 = arith.constant 0 : i32
    %scan3A_3 = arith.constant 640 : i32
    %scan3A_4 = arith.addi %scan3A_2, %scan3A_3 : i32
    %scan3A_5 = arith.constant 1 : i32
    scf.for %scan3A_15 = %scan3A_2 to %scan3A_4 step %scan3A_5  : i32 {
      %mul3A_16 = arith.constant 16 : i32
      %mul3A_17 = arith.muli %scan3A_15, %mul3A_16 : i32
      %swap3A = arith.index_cast %mul3A_17 : i32 to index
      %swap3A_18 = tpu.vector_load %arg5[%swap3A] {strides = array<i32>} : memref<10240xf32, #tpu.memory_space<vmem>>, vector<16xf32>,
      tpu.vector_store %arg5[%swap3A], %broadcast_in_dim3A_1 {strides = array<i32>} : memref<10240xf32, #tpu.memory_space<vmem>>, vector<16xf32>,
    }
    %scan3A_6 = arith.constant 640 : i32
    %broadcast_in_dim3A_7 = arith.constant 1.000000e+00 : f32
    %broadcast_in_dim3A_8 = vector.broadcast %broadcast_in_dim3A_7 : f32 to vector<16xf32>
    %scan3A_9 = arith.constant 0 : i32
    %scan3A_10 = arith.constant 0 : i32
    %scan3A_11 = arith.constant 80 : i32
    %scan3A_12 = arith.addi %scan3A_10, %scan3A_11 : i32
    %scan3A_13 = arith.constant 1 : i32
    scf.for %scan3A_15 = %scan3A_10 to %scan3A_12 step %scan3A_13  : i32 {
      %get3A = arith.index_cast %scan3A_15 : i32 to index
      %get3A_16 = arith.constant 0 : index
      %get3A_17 = tpu.vector_load %arg4[%get3A, %get3A_16] {strides = array<i32>} : memref<80x128xi32, #tpu.memory_space<vmem>>, vector<16xi32>,
      tpu.vector_store_idx %arg5[%get3A_17], %broadcast_in_dim3A_8 {add = true} : memref<10240xf32, #tpu.memory_space<vmem>>[vector<16xi32>], vector<16xf32>,
      %get3A_18 = arith.index_cast %scan3A_15 : i32 to index
      %get3A_19 = arith.constant 16 : index
      %get3A_20 = tpu.vector_load %arg4[%get3A_18, %get3A_19] {strides = array<i32>} : memref<80x128xi32, #tpu.memory_space<vmem>>, vector<16xi32>,
      tpu.vector_store_idx %arg5[%get3A_20], %broadcast_in_dim3A_8 {add = true} : memref<10240xf32, #tpu.memory_space<vmem>>[vector<16xi32>], vector<16xf32>,
      %get3A_21 = arith.index_cast %scan3A_15 : i32 to index
      %get3A_22 = arith.constant 32 : index
      %get3A_23 = tpu.vector_load %arg4[%get3A_21, %get3A_22] {strides = array<i32>} : memref<80x128xi32, #tpu.memory_space<vmem>>, vector<16xi32>,
      tpu.vector_store_idx %arg5[%get3A_23], %broadcast_in_dim3A_8 {add = true} : memref<10240xf32, #tpu.memory_space<vmem>>[vector<16xi32>], vector<16xf32>,
      %get3A_24 = arith.index_cast %scan3A_15 : i32 to index
      %get3A_25 = arith.constant 48 : index
      %get3A_26 = tpu.vector_load %arg4[%get3A_24, %get3A_25] {strides = array<i32>} : memref<80x128xi32, #tpu.memory_space<vmem>>, vector<16xi32>,
      tpu.vector_store_idx %arg5[%get3A_26], %broadcast_in_dim3A_8 {add = true} : memref<10240xf32, #tpu.memory_space<vmem>>[vector<16xi32>], vector<16xf32>,
      %get3A_27 = arith.index_cast %scan3A_15 : i32 to index
      %get3A_28 = arith.constant 64 : index
      %get3A_29 = tpu.vector_load %arg4[%get3A_27, %get3A_28] {strides = array<i32>} : memref<80x128xi32, #tpu.memory_space<vmem>>, vector<16xi32>,
      tpu.vector_store_idx %arg5[%get3A_29], %broadcast_in_dim3A_8 {add = true} : memref<10240xf32, #tpu.memory_space<vmem>>[vector<16xi32>], vector<16xf32>,
      %get3A_30 = arith.index_cast %scan3A_15 : i32 to index
      %get3A_31 = arith.constant 80 : index
      %get3A_32 = tpu.vector_load %arg4[%get3A_30, %get3A_31] {strides = array<i32>} : memref<80x128xi32, #tpu.memory_space<vmem>>, vector<16xi32>,
      tpu.vector_store_idx %arg5[%get3A_32], %broadcast_in_dim3A_8 {add = true} : memref<10240xf32, #tpu.memory_space<vmem>>[vector<16xi32>], vector<16xf32>,
      %get3A_33 = arith.index_cast %scan3A_15 : i32 to index
      %get3A_34 = arith.constant 96 : index
      %get3A_35 = tpu.vector_load %arg4[%get3A_33, %get3A_34] {strides = array<i32>} : memref<80x128xi32, #tpu.memory_space<vmem>>, vector<16xi32>,
      tpu.vector_store_idx %arg5[%get3A_35], %broadcast_in_dim3A_8 {add = true} : memref<10240xf32, #tpu.memory_space<vmem>>[vector<16xi32>], vector<16xf32>,
      %get3A_36 = arith.index_cast %scan3A_15 : i32 to index
      %get3A_37 = arith.constant 112 : index
      %get3A_38 = tpu.vector_load %arg4[%get3A_36, %get3A_37] {strides = array<i32>} : memref<80x128xi32, #tpu.memory_space<vmem>>, vector<16xi32>,
      tpu.vector_store_idx %arg5[%get3A_38], %broadcast_in_dim3A_8 {add = true} : memref<10240xf32, #tpu.memory_space<vmem>>[vector<16xi32>], vector<16xf32>,
    }
    %scan3A_14 = arith.constant 80 : i32
    "tpu.region"() ({
      %run_scoped3A = tpu.sem_alloc : memref<!tpu.dma_semaphore, #tpu.memory_space<semaphore_mem>>
      %dma_start3A = arith.constant 0 : i32
      %dma_start3A_15 = tpu.memref_slice %arg3[%add3A, %dma_start3A] : memref<32x10240xf32, #tpu.memory_space<hbm>> -> memref<1x10240xf32, #tpu.memory_space<hbm>>
      %dma_start3A_16 = tpu.memref_squeeze %dma_start3A_15 : memref<1x10240xf32, #tpu.memory_space<hbm>> -> memref<10240xf32, #tpu.memory_space<hbm>>
      %dma_start3A_17 = arith.constant 0 : i32
      %dma_start3A_18 = tpu.memref_slice %arg3[%add3A, %dma_start3A_17] : memref<32x10240xf32, #tpu.memory_space<hbm>> -> memref<1x10240xf32, #tpu.memory_space<hbm>>
      %dma_start3A_19 = tpu.memref_squeeze %dma_start3A_18 : memref<1x10240xf32, #tpu.memory_space<hbm>> -> memref<10240xf32, #tpu.memory_space<hbm>>
      tpu.enqueue_dma source(%arg5 : memref<10240xf32, #tpu.memory_space<vmem>>) target(%dma_start3A_19 : memref<10240xf32, #tpu.memory_space<hbm>>) target_semaphore(%run_scoped3A : memref<!tpu.dma_semaphore, #tpu.memory_space<semaphore_mem>>)
      %dma_wait3A = arith.constant 0 : i32
      %dma_wait3A_20 = tpu.memref_slice %arg3[%add3A, %dma_wait3A] : memref<32x10240xf32, #tpu.memory_space<hbm>> -> memref<1x10240xf32, #tpu.memory_space<hbm>>
      %dma_wait3A_21 = tpu.memref_squeeze %dma_wait3A_20 : memref<1x10240xf32, #tpu.memory_space<hbm>> -> memref<10240xf32, #tpu.memory_space<hbm>>
      %dma_wait3A_22 = arith.constant 0 : i32
      %dma_wait3A_23 = tpu.memref_slice %arg3[%add3A, %dma_wait3A_22] : memref<32x10240xf32, #tpu.memory_space<hbm>> -> memref<1x10240xf32, #tpu.memory_space<hbm>>
      %dma_wait3A_24 = tpu.memref_squeeze %dma_wait3A_23 : memref<1x10240xf32, #tpu.memory_space<hbm>> -> memref<10240xf32, #tpu.memory_space<hbm>>
      tpu.wait_dma2 semaphore(%run_scoped3A : memref<!tpu.dma_semaphore, #tpu.memory_space<semaphore_mem>>) src(%arg5 : memref<10240xf32, #tpu.memory_space<vmem>>) dst(%dma_wait3A_24 : memref<10240xf32, #tpu.memory_space<hbm>>)
      tpu.yield
    }) : () -> ()
    return
  }
}

#map = affine_map<(d0, d1) -> (0, 0, 0)>
#map1 = affine_map<(d0, d1) -> (0, 0)>
module attributes {stable_mosaic.version = 14 : i64} {
  func.func @_sc_agg(%arg0: i32, %arg1: i32, %arg2: memref<32x80x128xi32, #tpu.memory_space<hbm>>, %arg3: memref<32x80x128xi32, #tpu.memory_space<hbm>>, %arg4: memref<10000x128xf32, #tpu.memory_space<hbm>>, %arg5: memref<2x10240x128xf32, #tpu.memory_space<hbm>>, %arg6: memref<80x128xi32, #tpu.memory_space<vmem>>, %arg7: memref<80x128xi32, #tpu.memory_space<vmem>>, %arg8: memref<128xi32, #tpu.memory_space<vmem>>, %arg9: memref<128x128xf32, #tpu.memory_space<vmem>>, %arg10: memref<10240x128xf32, #tpu.memory_space<vmem_shared>>, %arg11: memref<!tpu.dma_semaphore, #tpu.memory_space<semaphore_mem>>) attributes {dimension_semantics = [#tpu.dimension_semantics<core_parallel>, #tpu.dimension_semantics<subcore_parallel>], iteration_bounds = array<i64: 2, 16>, scalar_prefetch = 0 : i64, scratch_operands = 6 : i64, tpu.core_type = #tpu.core_type<sc_vector_subcore>, window_params = [{transform_indices = #map}, {transform_indices = #map}, {transform_indices = #map1}, {transform_indices = #map}]} {
    %mul3A = arith.constant 16 : i32
    %mul3A_0 = arith.muli %arg0, %mul3A : i32
    %add3A = arith.addi %mul3A_0, %arg1 : i32
    "tpu.region"() ({
      %run_scoped3A = tpu.sem_alloc : memref<!tpu.dma_semaphore, #tpu.memory_space<semaphore_mem>>
      %dma_start3A = arith.constant 0 : i32
      %dma_start3A_54 = arith.constant 0 : i32
      %dma_start3A_55 = tpu.memref_slice %arg2[%add3A, %dma_start3A, %dma_start3A_54] : memref<32x80x128xi32, #tpu.memory_space<hbm>> -> memref<1x80x128xi32, #tpu.memory_space<hbm>>
      %dma_start3A_56 = tpu.memref_squeeze %dma_start3A_55 : memref<1x80x128xi32, #tpu.memory_space<hbm>> -> memref<80x128xi32, #tpu.memory_space<hbm>>
      %dma_start3A_57 = arith.constant 0 : i32
      %dma_start3A_58 = arith.constant 0 : i32
      %dma_start3A_59 = tpu.memref_slice %arg2[%add3A, %dma_start3A_57, %dma_start3A_58] : memref<32x80x128xi32, #tpu.memory_space<hbm>> -> memref<1x80x128xi32, #tpu.memory_space<hbm>>
      %dma_start3A_60 = tpu.memref_squeeze %dma_start3A_59 : memref<1x80x128xi32, #tpu.memory_space<hbm>> -> memref<80x128xi32, #tpu.memory_space<hbm>>
      tpu.enqueue_dma source(%dma_start3A_60 : memref<80x128xi32, #tpu.memory_space<hbm>>) target(%arg6 : memref<80x128xi32, #tpu.memory_space<vmem>>) target_semaphore(%run_scoped3A : memref<!tpu.dma_semaphore, #tpu.memory_space<semaphore_mem>>)
      %dma_wait3A = arith.constant 0 : i32
      %dma_wait3A_61 = arith.constant 0 : i32
      %dma_wait3A_62 = tpu.memref_slice %arg2[%add3A, %dma_wait3A, %dma_wait3A_61] : memref<32x80x128xi32, #tpu.memory_space<hbm>> -> memref<1x80x128xi32, #tpu.memory_space<hbm>>
      %dma_wait3A_63 = tpu.memref_squeeze %dma_wait3A_62 : memref<1x80x128xi32, #tpu.memory_space<hbm>> -> memref<80x128xi32, #tpu.memory_space<hbm>>
      %dma_wait3A_64 = arith.constant 0 : i32
      %dma_wait3A_65 = arith.constant 0 : i32
      %dma_wait3A_66 = tpu.memref_slice %arg2[%add3A, %dma_wait3A_64, %dma_wait3A_65] : memref<32x80x128xi32, #tpu.memory_space<hbm>> -> memref<1x80x128xi32, #tpu.memory_space<hbm>>
      %dma_wait3A_67 = tpu.memref_squeeze %dma_wait3A_66 : memref<1x80x128xi32, #tpu.memory_space<hbm>> -> memref<80x128xi32, #tpu.memory_space<hbm>>
      tpu.wait_dma2 semaphore(%run_scoped3A : memref<!tpu.dma_semaphore, #tpu.memory_space<semaphore_mem>>) src(%dma_wait3A_67 : memref<80x128xi32, #tpu.memory_space<hbm>>) dst(%arg6 : memref<80x128xi32, #tpu.memory_space<vmem>>)
      tpu.yield
    }) : () -> ()
    "tpu.region"() ({
      %run_scoped3A = tpu.sem_alloc : memref<!tpu.dma_semaphore, #tpu.memory_space<semaphore_mem>>
      %dma_start3A = arith.constant 0 : i32
      %dma_start3A_54 = arith.constant 0 : i32
      %dma_start3A_55 = tpu.memref_slice %arg3[%add3A, %dma_start3A, %dma_start3A_54] : memref<32x80x128xi32, #tpu.memory_space<hbm>> -> memref<1x80x128xi32, #tpu.memory_space<hbm>>
      %dma_start3A_56 = tpu.memref_squeeze %dma_start3A_55 : memref<1x80x128xi32, #tpu.memory_space<hbm>> -> memref<80x128xi32, #tpu.memory_space<hbm>>
      %dma_start3A_57 = arith.constant 0 : i32
      %dma_start3A_58 = arith.constant 0 : i32
      %dma_start3A_59 = tpu.memref_slice %arg3[%add3A, %dma_start3A_57, %dma_start3A_58] : memref<32x80x128xi32, #tpu.memory_space<hbm>> -> memref<1x80x128xi32, #tpu.memory_space<hbm>>
      %dma_start3A_60 = tpu.memref_squeeze %dma_start3A_59 : memref<1x80x128xi32, #tpu.memory_space<hbm>> -> memref<80x128xi32, #tpu.memory_space<hbm>>
      tpu.enqueue_dma source(%dma_start3A_60 : memref<80x128xi32, #tpu.memory_space<hbm>>) target(%arg7 : memref<80x128xi32, #tpu.memory_space<vmem>>) target_semaphore(%run_scoped3A : memref<!tpu.dma_semaphore, #tpu.memory_space<semaphore_mem>>)
      %dma_wait3A = arith.constant 0 : i32
      %dma_wait3A_61 = arith.constant 0 : i32
      %dma_wait3A_62 = tpu.memref_slice %arg3[%add3A, %dma_wait3A, %dma_wait3A_61] : memref<32x80x128xi32, #tpu.memory_space<hbm>> -> memref<1x80x128xi32, #tpu.memory_space<hbm>>
      %dma_wait3A_63 = tpu.memref_squeeze %dma_wait3A_62 : memref<1x80x128xi32, #tpu.memory_space<hbm>> -> memref<80x128xi32, #tpu.memory_space<hbm>>
      %dma_wait3A_64 = arith.constant 0 : i32
      %dma_wait3A_65 = arith.constant 0 : i32
      %dma_wait3A_66 = tpu.memref_slice %arg3[%add3A, %dma_wait3A_64, %dma_wait3A_65] : memref<32x80x128xi32, #tpu.memory_space<hbm>> -> memref<1x80x128xi32, #tpu.memory_space<hbm>>
      %dma_wait3A_67 = tpu.memref_squeeze %dma_wait3A_66 : memref<1x80x128xi32, #tpu.memory_space<hbm>> -> memref<80x128xi32, #tpu.memory_space<hbm>>
      tpu.wait_dma2 semaphore(%run_scoped3A : memref<!tpu.dma_semaphore, #tpu.memory_space<semaphore_mem>>) src(%dma_wait3A_67 : memref<80x128xi32, #tpu.memory_space<hbm>>) dst(%arg7 : memref<80x128xi32, #tpu.memory_space<vmem>>)
      tpu.yield
    }) : () -> ()
    %broadcast_in_dim3A = arith.constant 0.000000e+00 : f32
    %broadcast_in_dim3A_1 = vector.broadcast %broadcast_in_dim3A : f32 to vector<16xf32>
    %scan3A = arith.constant 0 : i32
    %scan3A_2 = arith.constant 0 : i32
    %scan3A_3 = arith.constant 128 : i32
    %scan3A_4 = arith.addi %scan3A_2, %scan3A_3 : i32
    %scan3A_5 = arith.constant 1 : i32
    scf.for %scan3A_54 = %scan3A_2 to %scan3A_4 step %scan3A_5  : i32 {
      %swap3A = arith.index_cast %scan3A_54 : i32 to index
      %swap3A_55 = arith.constant 0 : index
      %swap3A_56 = tpu.vector_load %arg9[%swap3A, %swap3A_55] {strides = array<i32>} : memref<128x128xf32, #tpu.memory_space<vmem>>, vector<16xf32>,
      tpu.vector_store %arg9[%swap3A, %swap3A_55], %broadcast_in_dim3A_1 {strides = array<i32>} : memref<128x128xf32, #tpu.memory_space<vmem>>, vector<16xf32>,
      %swap3A_57 = arith.index_cast %scan3A_54 : i32 to index
      %swap3A_58 = arith.constant 16 : index
      %swap3A_59 = tpu.vector_load %arg9[%swap3A_57, %swap3A_58] {strides = array<i32>} : memref<128x128xf32, #tpu.memory_space<vmem>>, vector<16xf32>,
      tpu.vector_store %arg9[%swap3A_57, %swap3A_58], %broadcast_in_dim3A_1 {strides = array<i32>} : memref<128x128xf32, #tpu.memory_space<vmem>>, vector<16xf32>,
      %swap3A_60 = arith.index_cast %scan3A_54 : i32 to index
      %swap3A_61 = arith.constant 32 : index
      %swap3A_62 = tpu.vector_load %arg9[%swap3A_60, %swap3A_61] {strides = array<i32>} : memref<128x128xf32, #tpu.memory_space<vmem>>, vector<16xf32>,
      tpu.vector_store %arg9[%swap3A_60, %swap3A_61], %broadcast_in_dim3A_1 {strides = array<i32>} : memref<128x128xf32, #tpu.memory_space<vmem>>, vector<16xf32>,
      %swap3A_63 = arith.index_cast %scan3A_54 : i32 to index
      %swap3A_64 = arith.constant 48 : index
      %swap3A_65 = tpu.vector_load %arg9[%swap3A_63, %swap3A_64] {strides = array<i32>} : memref<128x128xf32, #tpu.memory_space<vmem>>, vector<16xf32>,
      tpu.vector_store %arg9[%swap3A_63, %swap3A_64], %broadcast_in_dim3A_1 {strides = array<i32>} : memref<128x128xf32, #tpu.memory_space<vmem>>, vector<16xf32>,
      %swap3A_66 = arith.index_cast %scan3A_54 : i32 to index
      %swap3A_67 = arith.constant 64 : index
      %swap3A_68 = tpu.vector_load %arg9[%swap3A_66, %swap3A_67] {strides = array<i32>} : memref<128x128xf32, #tpu.memory_space<vmem>>, vector<16xf32>,
      tpu.vector_store %arg9[%swap3A_66, %swap3A_67], %broadcast_in_dim3A_1 {strides = array<i32>} : memref<128x128xf32, #tpu.memory_space<vmem>>, vector<16xf32>,
      %swap3A_69 = arith.index_cast %scan3A_54 : i32 to index
      %swap3A_70 = arith.constant 80 : index
      %swap3A_71 = tpu.vector_load %arg9[%swap3A_69, %swap3A_70] {strides = array<i32>} : memref<128x128xf32, #tpu.memory_space<vmem>>, vector<16xf32>,
      tpu.vector_store %arg9[%swap3A_69, %swap3A_70], %broadcast_in_dim3A_1 {strides = array<i32>} : memref<128x128xf32, #tpu.memory_space<vmem>>, vector<16xf32>,
      %swap3A_72 = arith.index_cast %scan3A_54 : i32 to index
      %swap3A_73 = arith.constant 96 : index
      %swap3A_74 = tpu.vector_load %arg9[%swap3A_72, %swap3A_73] {strides = array<i32>} : memref<128x128xf32, #tpu.memory_space<vmem>>, vector<16xf32>,
      tpu.vector_store %arg9[%swap3A_72, %swap3A_73], %broadcast_in_dim3A_1 {strides = array<i32>} : memref<128x128xf32, #tpu.memory_space<vmem>>, vector<16xf32>,
      %swap3A_75 = arith.index_cast %scan3A_54 : i32 to index
      %swap3A_76 = arith.constant 112 : index
      %swap3A_77 = tpu.vector_load %arg9[%swap3A_75, %swap3A_76] {strides = array<i32>} : memref<128x128xf32, #tpu.memory_space<vmem>>, vector<16xf32>,
      tpu.vector_store %arg9[%swap3A_75, %swap3A_76], %broadcast_in_dim3A_1 {strides = array<i32>} : memref<128x128xf32, #tpu.memory_space<vmem>>, vector<16xf32>,
    }
    %scan3A_6 = arith.constant 128 : i32
    %mul3A_7 = arith.constant 640 : i32
    %mul3A_8 = arith.muli %arg1, %mul3A_7 : i32
    %add3A_9 = arith.constant 0 : i32
    %add3A_10 = arith.addi %mul3A_8, %add3A_9 : i32
    "tpu.region"() ({
      %run_scoped3A = tpu.sem_alloc : memref<!tpu.dma_semaphore, #tpu.memory_space<semaphore_mem>>
      %dma_start3A = arith.constant 0 : i32
      %dma_start3A_54 = tpu.memref_slice %arg10[%add3A_10, %dma_start3A] : memref<10240x128xf32, #tpu.memory_space<vmem_shared>> -> memref<128x128xf32, #tpu.memory_space<vmem_shared>>
      %dma_start3A_55 = arith.constant 0 : i32
      %dma_start3A_56 = tpu.memref_slice %arg10[%add3A_10, %dma_start3A_55] : memref<10240x128xf32, #tpu.memory_space<vmem_shared>> -> memref<128x128xf32, #tpu.memory_space<vmem_shared>>
      tpu.enqueue_dma source(%arg9 : memref<128x128xf32, #tpu.memory_space<vmem>>) target(%dma_start3A_56 : memref<128x128xf32, #tpu.memory_space<vmem_shared>>) target_semaphore(%run_scoped3A : memref<!tpu.dma_semaphore, #tpu.memory_space<semaphore_mem>>)
      %dma_wait3A = arith.constant 0 : i32
      %dma_wait3A_57 = tpu.memref_slice %arg10[%add3A_10, %dma_wait3A] : memref<10240x128xf32, #tpu.memory_space<vmem_shared>> -> memref<128x128xf32, #tpu.memory_space<vmem_shared>>
      %dma_wait3A_58 = arith.constant 0 : i32
      %dma_wait3A_59 = tpu.memref_slice %arg10[%add3A_10, %dma_wait3A_58] : memref<10240x128xf32, #tpu.memory_space<vmem_shared>> -> memref<128x128xf32, #tpu.memory_space<vmem_shared>>
      tpu.wait_dma2 semaphore(%run_scoped3A : memref<!tpu.dma_semaphore, #tpu.memory_space<semaphore_mem>>) src(%arg9 : memref<128x128xf32, #tpu.memory_space<vmem>>) dst(%dma_wait3A_59 : memref<128x128xf32, #tpu.memory_space<vmem_shared>>)
      tpu.yield
    }) : () -> ()
    %mul3A_11 = arith.constant 640 : i32
    %mul3A_12 = arith.muli %arg1, %mul3A_11 : i32
    %add3A_13 = arith.constant 128 : i32
    %add3A_14 = arith.addi %mul3A_12, %add3A_13 : i32
    "tpu.region"() ({
      %run_scoped3A = tpu.sem_alloc : memref<!tpu.dma_semaphore, #tpu.memory_space<semaphore_mem>>
      %dma_start3A = arith.constant 0 : i32
      %dma_start3A_54 = tpu.memref_slice %arg10[%add3A_14, %dma_start3A] : memref<10240x128xf32, #tpu.memory_space<vmem_shared>> -> memref<128x128xf32, #tpu.memory_space<vmem_shared>>
      %dma_start3A_55 = arith.constant 0 : i32
      %dma_start3A_56 = tpu.memref_slice %arg10[%add3A_14, %dma_start3A_55] : memref<10240x128xf32, #tpu.memory_space<vmem_shared>> -> memref<128x128xf32, #tpu.memory_space<vmem_shared>>
      tpu.enqueue_dma source(%arg9 : memref<128x128xf32, #tpu.memory_space<vmem>>) target(%dma_start3A_56 : memref<128x128xf32, #tpu.memory_space<vmem_shared>>) target_semaphore(%run_scoped3A : memref<!tpu.dma_semaphore, #tpu.memory_space<semaphore_mem>>)
      %dma_wait3A = arith.constant 0 : i32
      %dma_wait3A_57 = tpu.memref_slice %arg10[%add3A_14, %dma_wait3A] : memref<10240x128xf32, #tpu.memory_space<vmem_shared>> -> memref<128x128xf32, #tpu.memory_space<vmem_shared>>
      %dma_wait3A_58 = arith.constant 0 : i32
      %dma_wait3A_59 = tpu.memref_slice %arg10[%add3A_14, %dma_wait3A_58] : memref<10240x128xf32, #tpu.memory_space<vmem_shared>> -> memref<128x128xf32, #tpu.memory_space<vmem_shared>>
      tpu.wait_dma2 semaphore(%run_scoped3A : memref<!tpu.dma_semaphore, #tpu.memory_space<semaphore_mem>>) src(%arg9 : memref<128x128xf32, #tpu.memory_space<vmem>>) dst(%dma_wait3A_59 : memref<128x128xf32, #tpu.memory_space<vmem_shared>>)
      tpu.yield
    }) : () -> ()
    %mul3A_15 = arith.constant 640 : i32
    %mul3A_16 = arith.muli %arg1, %mul3A_15 : i32
    %add3A_17 = arith.constant 256 : i32
    %add3A_18 = arith.addi %mul3A_16, %add3A_17 : i32
    "tpu.region"() ({
      %run_scoped3A = tpu.sem_alloc : memref<!tpu.dma_semaphore, #tpu.memory_space<semaphore_mem>>
      %dma_start3A = arith.constant 0 : i32
      %dma_start3A_54 = tpu.memref_slice %arg10[%add3A_18, %dma_start3A] : memref<10240x128xf32, #tpu.memory_space<vmem_shared>> -> memref<128x128xf32, #tpu.memory_space<vmem_shared>>
      %dma_start3A_55 = arith.constant 0 : i32
      %dma_start3A_56 = tpu.memref_slice %arg10[%add3A_18, %dma_start3A_55] : memref<10240x128xf32, #tpu.memory_space<vmem_shared>> -> memref<128x128xf32, #tpu.memory_space<vmem_shared>>
      tpu.enqueue_dma source(%arg9 : memref<128x128xf32, #tpu.memory_space<vmem>>) target(%dma_start3A_56 : memref<128x128xf32, #tpu.memory_space<vmem_shared>>) target_semaphore(%run_scoped3A : memref<!tpu.dma_semaphore, #tpu.memory_space<semaphore_mem>>)
      %dma_wait3A = arith.constant 0 : i32
      %dma_wait3A_57 = tpu.memref_slice %arg10[%add3A_18, %dma_wait3A] : memref<10240x128xf32, #tpu.memory_space<vmem_shared>> -> memref<128x128xf32, #tpu.memory_space<vmem_shared>>
      %dma_wait3A_58 = arith.constant 0 : i32
      %dma_wait3A_59 = tpu.memref_slice %arg10[%add3A_18, %dma_wait3A_58] : memref<10240x128xf32, #tpu.memory_space<vmem_shared>> -> memref<128x128xf32, #tpu.memory_space<vmem_shared>>
      tpu.wait_dma2 semaphore(%run_scoped3A : memref<!tpu.dma_semaphore, #tpu.memory_space<semaphore_mem>>) src(%arg9 : memref<128x128xf32, #tpu.memory_space<vmem>>) dst(%dma_wait3A_59 : memref<128x128xf32, #tpu.memory_space<vmem_shared>>)
      tpu.yield
    }) : () -> ()
    %mul3A_19 = arith.constant 640 : i32
    %mul3A_20 = arith.muli %arg1, %mul3A_19 : i32
    %add3A_21 = arith.constant 384 : i32
    %add3A_22 = arith.addi %mul3A_20, %add3A_21 : i32
    "tpu.region"() ({
      %run_scoped3A = tpu.sem_alloc : memref<!tpu.dma_semaphore, #tpu.memory_space<semaphore_mem>>
      %dma_start3A = arith.constant 0 : i32
      %dma_start3A_54 = tpu.memref_slice %arg10[%add3A_22, %dma_start3A] : memref<10240x128xf32, #tpu.memory_space<vmem_shared>> -> memref<128x128xf32, #tpu.memory_space<vmem_shared>>
      %dma_start3A_55 = arith.constant 0 : i32
      %dma_start3A_56 = tpu.memref_slice %arg10[%add3A_22, %dma_start3A_55] : memref<10240x128xf32, #tpu.memory_space<vmem_shared>> -> memref<128x128xf32, #tpu.memory_space<vmem_shared>>
      tpu.enqueue_dma source(%arg9 : memref<128x128xf32, #tpu.memory_space<vmem>>) target(%dma_start3A_56 : memref<128x128xf32, #tpu.memory_space<vmem_shared>>) target_semaphore(%run_scoped3A : memref<!tpu.dma_semaphore, #tpu.memory_space<semaphore_mem>>)
      %dma_wait3A = arith.constant 0 : i32
      %dma_wait3A_57 = tpu.memref_slice %arg10[%add3A_22, %dma_wait3A] : memref<10240x128xf32, #tpu.memory_space<vmem_shared>> -> memref<128x128xf32, #tpu.memory_space<vmem_shared>>
      %dma_wait3A_58 = arith.constant 0 : i32
      %dma_wait3A_59 = tpu.memref_slice %arg10[%add3A_22, %dma_wait3A_58] : memref<10240x128xf32, #tpu.memory_space<vmem_shared>> -> memref<128x128xf32, #tpu.memory_space<vmem_shared>>
      tpu.wait_dma2 semaphore(%run_scoped3A : memref<!tpu.dma_semaphore, #tpu.memory_space<semaphore_mem>>) src(%arg9 : memref<128x128xf32, #tpu.memory_space<vmem>>) dst(%dma_wait3A_59 : memref<128x128xf32, #tpu.memory_space<vmem_shared>>)
      tpu.yield
    }) : () -> ()
    %mul3A_23 = arith.constant 640 : i32
    %mul3A_24 = arith.muli %arg1, %mul3A_23 : i32
    %add3A_25 = arith.constant 512 : i32
    %add3A_26 = arith.addi %mul3A_24, %add3A_25 : i32
    "tpu.region"() ({
      %run_scoped3A = tpu.sem_alloc : memref<!tpu.dma_semaphore, #tpu.memory_space<semaphore_mem>>
      %dma_start3A = arith.constant 0 : i32
      %dma_start3A_54 = tpu.memref_slice %arg10[%add3A_26, %dma_start3A] : memref<10240x128xf32, #tpu.memory_space<vmem_shared>> -> memref<128x128xf32, #tpu.memory_space<vmem_shared>>
      %dma_start3A_55 = arith.constant 0 : i32
      %dma_start3A_56 = tpu.memref_slice %arg10[%add3A_26, %dma_start3A_55] : memref<10240x128xf32, #tpu.memory_space<vmem_shared>> -> memref<128x128xf32, #tpu.memory_space<vmem_shared>>
      tpu.enqueue_dma source(%arg9 : memref<128x128xf32, #tpu.memory_space<vmem>>) target(%dma_start3A_56 : memref<128x128xf32, #tpu.memory_space<vmem_shared>>) target_semaphore(%run_scoped3A : memref<!tpu.dma_semaphore, #tpu.memory_space<semaphore_mem>>)
      %dma_wait3A = arith.constant 0 : i32
      %dma_wait3A_57 = tpu.memref_slice %arg10[%add3A_26, %dma_wait3A] : memref<10240x128xf32, #tpu.memory_space<vmem_shared>> -> memref<128x128xf32, #tpu.memory_space<vmem_shared>>
      %dma_wait3A_58 = arith.constant 0 : i32
      %dma_wait3A_59 = tpu.memref_slice %arg10[%add3A_26, %dma_wait3A_58] : memref<10240x128xf32, #tpu.memory_space<vmem_shared>> -> memref<128x128xf32, #tpu.memory_space<vmem_shared>>
      tpu.wait_dma2 semaphore(%run_scoped3A : memref<!tpu.dma_semaphore, #tpu.memory_space<semaphore_mem>>) src(%arg9 : memref<128x128xf32, #tpu.memory_space<vmem>>) dst(%dma_wait3A_59 : memref<128x128xf32, #tpu.memory_space<vmem_shared>>)
      tpu.yield
    }) : () -> ()
    %barrier3A = arith.constant 0 : index
    tpu.barrier barrier_id(%barrier3A)
    %scan3A_27 = arith.constant 0 : i32
    %scan3A_28 = arith.constant 0 : i32
    %scan3A_29 = arith.constant 80 : i32
    %scan3A_30 = arith.addi %scan3A_28, %scan3A_29 : i32
    %scan3A_31 = arith.constant 1 : i32
    scf.for %scan3A_54 = %scan3A_28 to %scan3A_30 step %scan3A_31  : i32 {
      %dma_start3A = arith.constant 0 : i32
      %dma_start3A_55 = tpu.memref_slice %arg6[%scan3A_54, %dma_start3A] : memref<80x128xi32, #tpu.memory_space<vmem>> -> memref<1x128xi32, #tpu.memory_space<vmem>>
      %dma_start3A_56 = tpu.memref_squeeze %dma_start3A_55 : memref<1x128xi32, #tpu.memory_space<vmem>> -> memref<128xi32, #tpu.memory_space<vmem>>
      %dma_start3A_57 = arith.constant 0 : i32
      %dma_start3A_58 = arith.constant 0 : i32
      %dma_start3A_59 = tpu.memref_slice %arg4[%dma_start3A_57, %dma_start3A_58] : memref<10000x128xf32, #tpu.memory_space<hbm>> -> memref<10000x128xf32, #tpu.memory_space<hbm>>
      tpu.enqueue_indirect_dma source(%dma_start3A_59 : memref<10000x128xf32, #tpu.memory_space<hbm>>) target(%arg9 : memref<128x128xf32, #tpu.memory_space<vmem>>) offsets(%dma_start3A_56 : memref<128xi32, #tpu.memory_space<vmem>>) semaphore(%arg11 : memref<!tpu.dma_semaphore, #tpu.memory_space<semaphore_mem>>)
      %dma_wait3A = arith.constant 0 : i32
      %dma_wait3A_60 = tpu.memref_slice %arg6[%scan3A_54, %dma_wait3A] : memref<80x128xi32, #tpu.memory_space<vmem>> -> memref<1x128xi32, #tpu.memory_space<vmem>>
      %dma_wait3A_61 = tpu.memref_squeeze %dma_wait3A_60 : memref<1x128xi32, #tpu.memory_space<vmem>> -> memref<128xi32, #tpu.memory_space<vmem>>
      %dma_wait3A_62 = arith.constant 0 : i32
      %dma_wait3A_63 = arith.constant 0 : i32
      %dma_wait3A_64 = tpu.memref_slice %arg4[%dma_wait3A_62, %dma_wait3A_63] : memref<10000x128xf32, #tpu.memory_space<hbm>> -> memref<10000x128xf32, #tpu.memory_space<hbm>>
      tpu.wait_indirect_dma semaphore(%arg11 : memref<!tpu.dma_semaphore, #tpu.memory_space<semaphore_mem>>) src(%dma_wait3A_64 : memref<10000x128xf32, #tpu.memory_space<hbm>>) dst(%arg9 : memref<128x128xf32, #tpu.memory_space<vmem>>)
      %get3A = arith.index_cast %scan3A_54 : i32 to index
      %get3A_65 = arith.constant 0 : index
      %get3A_66 = tpu.vector_load %arg7[%get3A, %get3A_65] {strides = array<i32>} : memref<80x128xi32, #tpu.memory_space<vmem>>, vector<16xi32>,
      %swap3A = arith.constant 0 : index
      %swap3A_67 = tpu.vector_load %arg8[%swap3A] {strides = array<i32>} : memref<128xi32, #tpu.memory_space<vmem>>, vector<16xi32>,
      tpu.vector_store %arg8[%swap3A], %get3A_66 {strides = array<i32>} : memref<128xi32, #tpu.memory_space<vmem>>, vector<16xi32>,
      %get3A_68 = arith.index_cast %scan3A_54 : i32 to index
      %get3A_69 = arith.constant 16 : index
      %get3A_70 = tpu.vector_load %arg7[%get3A_68, %get3A_69] {strides = array<i32>} : memref<80x128xi32, #tpu.memory_space<vmem>>, vector<16xi32>,
      %swap3A_71 = arith.constant 16 : index
      %swap3A_72 = tpu.vector_load %arg8[%swap3A_71] {strides = array<i32>} : memref<128xi32, #tpu.memory_space<vmem>>, vector<16xi32>,
      tpu.vector_store %arg8[%swap3A_71], %get3A_70 {strides = array<i32>} : memref<128xi32, #tpu.memory_space<vmem>>, vector<16xi32>,
      %get3A_73 = arith.index_cast %scan3A_54 : i32 to index
      %get3A_74 = arith.constant 32 : index
      %get3A_75 = tpu.vector_load %arg7[%get3A_73, %get3A_74] {strides = array<i32>} : memref<80x128xi32, #tpu.memory_space<vmem>>, vector<16xi32>,
      %swap3A_76 = arith.constant 32 : index
      %swap3A_77 = tpu.vector_load %arg8[%swap3A_76] {strides = array<i32>} : memref<128xi32, #tpu.memory_space<vmem>>, vector<16xi32>,
      tpu.vector_store %arg8[%swap3A_76], %get3A_75 {strides = array<i32>} : memref<128xi32, #tpu.memory_space<vmem>>, vector<16xi32>,
      %get3A_78 = arith.index_cast %scan3A_54 : i32 to index
      %get3A_79 = arith.constant 48 : index
      %get3A_80 = tpu.vector_load %arg7[%get3A_78, %get3A_79] {strides = array<i32>} : memref<80x128xi32, #tpu.memory_space<vmem>>, vector<16xi32>,
      %swap3A_81 = arith.constant 48 : index
      %swap3A_82 = tpu.vector_load %arg8[%swap3A_81] {strides = array<i32>} : memref<128xi32, #tpu.memory_space<vmem>>, vector<16xi32>,
      tpu.vector_store %arg8[%swap3A_81], %get3A_80 {strides = array<i32>} : memref<128xi32, #tpu.memory_space<vmem>>, vector<16xi32>,
      %get3A_83 = arith.index_cast %scan3A_54 : i32 to index
      %get3A_84 = arith.constant 64 : index
      %get3A_85 = tpu.vector_load %arg7[%get3A_83, %get3A_84] {strides = array<i32>} : memref<80x128xi32, #tpu.memory_space<vmem>>, vector<16xi32>,
      %swap3A_86 = arith.constant 64 : index
      %swap3A_87 = tpu.vector_load %arg8[%swap3A_86] {strides = array<i32>} : memref<128xi32, #tpu.memory_space<vmem>>, vector<16xi32>,
      tpu.vector_store %arg8[%swap3A_86], %get3A_85 {strides = array<i32>} : memref<128xi32, #tpu.memory_space<vmem>>, vector<16xi32>,
      %get3A_88 = arith.index_cast %scan3A_54 : i32 to index
      %get3A_89 = arith.constant 80 : index
      %get3A_90 = tpu.vector_load %arg7[%get3A_88, %get3A_89] {strides = array<i32>} : memref<80x128xi32, #tpu.memory_space<vmem>>, vector<16xi32>,
      %swap3A_91 = arith.constant 80 : index
      %swap3A_92 = tpu.vector_load %arg8[%swap3A_91] {strides = array<i32>} : memref<128xi32, #tpu.memory_space<vmem>>, vector<16xi32>,
      tpu.vector_store %arg8[%swap3A_91], %get3A_90 {strides = array<i32>} : memref<128xi32, #tpu.memory_space<vmem>>, vector<16xi32>,
      %get3A_93 = arith.index_cast %scan3A_54 : i32 to index
      %get3A_94 = arith.constant 96 : index
      %get3A_95 = tpu.vector_load %arg7[%get3A_93, %get3A_94] {strides = array<i32>} : memref<80x128xi32, #tpu.memory_space<vmem>>, vector<16xi32>,
      %swap3A_96 = arith.constant 96 : index
      %swap3A_97 = tpu.vector_load %arg8[%swap3A_96] {strides = array<i32>} : memref<128xi32, #tpu.memory_space<vmem>>, vector<16xi32>,
      tpu.vector_store %arg8[%swap3A_96], %get3A_95 {strides = array<i32>} : memref<128xi32, #tpu.memory_space<vmem>>, vector<16xi32>,
      %get3A_98 = arith.index_cast %scan3A_54 : i32 to index
      %get3A_99 = arith.constant 112 : index
      %get3A_100 = tpu.vector_load %arg7[%get3A_98, %get3A_99] {strides = array<i32>} : memref<80x128xi32, #tpu.memory_space<vmem>>, vector<16xi32>,
      %swap3A_101 = arith.constant 112 : index
      %swap3A_102 = tpu.vector_load %arg8[%swap3A_101] {strides = array<i32>} : memref<128xi32, #tpu.memory_space<vmem>>, vector<16xi32>,
      tpu.vector_store %arg8[%swap3A_101], %get3A_100 {strides = array<i32>} : memref<128xi32, #tpu.memory_space<vmem>>, vector<16xi32>,
      "tpu.region"() ({
        %run_scoped3A = tpu.sem_alloc : memref<!tpu.dma_semaphore, #tpu.memory_space<semaphore_mem>>
        %dma_start3A_103 = arith.constant 0 : i32
        %dma_start3A_104 = arith.constant 0 : i32
        %dma_start3A_105 = tpu.memref_slice %arg10[%dma_start3A_103, %dma_start3A_104] : memref<10240x128xf32, #tpu.memory_space<vmem_shared>> -> memref<10240x128xf32, #tpu.memory_space<vmem_shared>>
        tpu.enqueue_indirect_dma source(%arg9 : memref<128x128xf32, #tpu.memory_space<vmem>>) target(%dma_start3A_105 : memref<10240x128xf32, #tpu.memory_space<vmem_shared>>) offsets(%arg8 : memref<128xi32, #tpu.memory_space<vmem>>) semaphore(%run_scoped3A : memref<!tpu.dma_semaphore, #tpu.memory_space<semaphore_mem>>) {add = true}
        %dma_wait3A_106 = arith.constant 0 : i32
        %dma_wait3A_107 = arith.constant 0 : i32
        %dma_wait3A_108 = tpu.memref_slice %arg10[%dma_wait3A_106, %dma_wait3A_107] : memref<10240x128xf32, #tpu.memory_space<vmem_shared>> -> memref<10240x128xf32, #tpu.memory_space<vmem_shared>>
        tpu.wait_indirect_dma semaphore(%run_scoped3A : memref<!tpu.dma_semaphore, #tpu.memory_space<semaphore_mem>>) src(%arg9 : memref<128x128xf32, #tpu.memory_space<vmem>>) dst(%dma_wait3A_108 : memref<10240x128xf32, #tpu.memory_space<vmem_shared>>)
        tpu.yield
      }) : () -> ()
    }
    %scan3A_32 = arith.constant 80 : i32
    %barrier3A_33 = arith.constant 0 : index
    tpu.barrier barrier_id(%barrier3A_33)
    %mul3A_34 = arith.constant 640 : i32
    %mul3A_35 = arith.muli %arg1, %mul3A_34 : i32
    %add3A_36 = arith.constant 0 : i32
    %add3A_37 = arith.addi %mul3A_35, %add3A_36 : i32
    "tpu.region"() ({
      %run_scoped3A = tpu.sem_alloc : memref<!tpu.dma_semaphore, #tpu.memory_space<semaphore_mem>>
      %dma_start3A = arith.constant 0 : i32
      %dma_start3A_54 = tpu.memref_slice %arg5[%arg0, %add3A_37, %dma_start3A] : memref<2x10240x128xf32, #tpu.memory_space<hbm>> -> memref<1x128x128xf32, #tpu.memory_space<hbm>>
      %dma_start3A_55 = tpu.memref_squeeze %dma_start3A_54 : memref<1x128x128xf32, #tpu.memory_space<hbm>> -> memref<128x128xf32, #tpu.memory_space<hbm>>
      %dma_start3A_56 = arith.constant 0 : i32
      %dma_start3A_57 = tpu.memref_slice %arg10[%add3A_37, %dma_start3A_56] : memref<10240x128xf32, #tpu.memory_space<vmem_shared>> -> memref<128x128xf32, #tpu.memory_space<vmem_shared>>
      tpu.enqueue_dma source(%dma_start3A_57 : memref<128x128xf32, #tpu.memory_space<vmem_shared>>) target(%dma_start3A_55 : memref<128x128xf32, #tpu.memory_space<hbm>>) target_semaphore(%run_scoped3A : memref<!tpu.dma_semaphore, #tpu.memory_space<semaphore_mem>>)
      %dma_wait3A = arith.constant 0 : i32
      %dma_wait3A_58 = tpu.memref_slice %arg5[%arg0, %add3A_37, %dma_wait3A] : memref<2x10240x128xf32, #tpu.memory_space<hbm>> -> memref<1x128x128xf32, #tpu.memory_space<hbm>>
      %dma_wait3A_59 = tpu.memref_squeeze %dma_wait3A_58 : memref<1x128x128xf32, #tpu.memory_space<hbm>> -> memref<128x128xf32, #tpu.memory_space<hbm>>
      %dma_wait3A_60 = arith.constant 0 : i32
      %dma_wait3A_61 = tpu.memref_slice %arg10[%add3A_37, %dma_wait3A_60] : memref<10240x128xf32, #tpu.memory_space<vmem_shared>> -> memref<128x128xf32, #tpu.memory_space<vmem_shared>>
      tpu.wait_dma2 semaphore(%run_scoped3A : memref<!tpu.dma_semaphore, #tpu.memory_space<semaphore_mem>>) src(%dma_wait3A_61 : memref<128x128xf32, #tpu.memory_space<vmem_shared>>) dst(%dma_wait3A_59 : memref<128x128xf32, #tpu.memory_space<hbm>>)
      tpu.yield
    }) : () -> ()
    %mul3A_38 = arith.constant 640 : i32
    %mul3A_39 = arith.muli %arg1, %mul3A_38 : i32
    %add3A_40 = arith.constant 128 : i32
    %add3A_41 = arith.addi %mul3A_39, %add3A_40 : i32
    "tpu.region"() ({
      %run_scoped3A = tpu.sem_alloc : memref<!tpu.dma_semaphore, #tpu.memory_space<semaphore_mem>>
      %dma_start3A = arith.constant 0 : i32
      %dma_start3A_54 = tpu.memref_slice %arg5[%arg0, %add3A_41, %dma_start3A] : memref<2x10240x128xf32, #tpu.memory_space<hbm>> -> memref<1x128x128xf32, #tpu.memory_space<hbm>>
      %dma_start3A_55 = tpu.memref_squeeze %dma_start3A_54 : memref<1x128x128xf32, #tpu.memory_space<hbm>> -> memref<128x128xf32, #tpu.memory_space<hbm>>
      %dma_start3A_56 = arith.constant 0 : i32
      %dma_start3A_57 = tpu.memref_slice %arg10[%add3A_41, %dma_start3A_56] : memref<10240x128xf32, #tpu.memory_space<vmem_shared>> -> memref<128x128xf32, #tpu.memory_space<vmem_shared>>
      tpu.enqueue_dma source(%dma_start3A_57 : memref<128x128xf32, #tpu.memory_space<vmem_shared>>) target(%dma_start3A_55 : memref<128x128xf32, #tpu.memory_space<hbm>>) target_semaphore(%run_scoped3A : memref<!tpu.dma_semaphore, #tpu.memory_space<semaphore_mem>>)
      %dma_wait3A = arith.constant 0 : i32
      %dma_wait3A_58 = tpu.memref_slice %arg5[%arg0, %add3A_41, %dma_wait3A] : memref<2x10240x128xf32, #tpu.memory_space<hbm>> -> memref<1x128x128xf32, #tpu.memory_space<hbm>>
      %dma_wait3A_59 = tpu.memref_squeeze %dma_wait3A_58 : memref<1x128x128xf32, #tpu.memory_space<hbm>> -> memref<128x128xf32, #tpu.memory_space<hbm>>
      %dma_wait3A_60 = arith.constant 0 : i32
      %dma_wait3A_61 = tpu.memref_slice %arg10[%add3A_41, %dma_wait3A_60] : memref<10240x128xf32, #tpu.memory_space<vmem_shared>> -> memref<128x128xf32, #tpu.memory_space<vmem_shared>>
      tpu.wait_dma2 semaphore(%run_scoped3A : memref<!tpu.dma_semaphore, #tpu.memory_space<semaphore_mem>>) src(%dma_wait3A_61 : memref<128x128xf32, #tpu.memory_space<vmem_shared>>) dst(%dma_wait3A_59 : memref<128x128xf32, #tpu.memory_space<hbm>>)
      tpu.yield
    }) : () -> ()
    %mul3A_42 = arith.constant 640 : i32
    %mul3A_43 = arith.muli %arg1, %mul3A_42 : i32
    %add3A_44 = arith.constant 256 : i32
    %add3A_45 = arith.addi %mul3A_43, %add3A_44 : i32
    "tpu.region"() ({
      %run_scoped3A = tpu.sem_alloc : memref<!tpu.dma_semaphore, #tpu.memory_space<semaphore_mem>>
      %dma_start3A = arith.constant 0 : i32
      %dma_start3A_54 = tpu.memref_slice %arg5[%arg0, %add3A_45, %dma_start3A] : memref<2x10240x128xf32, #tpu.memory_space<hbm>> -> memref<1x128x128xf32, #tpu.memory_space<hbm>>
      %dma_start3A_55 = tpu.memref_squeeze %dma_start3A_54 : memref<1x128x128xf32, #tpu.memory_space<hbm>> -> memref<128x128xf32, #tpu.memory_space<hbm>>
      %dma_start3A_56 = arith.constant 0 : i32
      %dma_start3A_57 = tpu.memref_slice %arg10[%add3A_45, %dma_start3A_56] : memref<10240x128xf32, #tpu.memory_space<vmem_shared>> -> memref<128x128xf32, #tpu.memory_space<vmem_shared>>
      tpu.enqueue_dma source(%dma_start3A_57 : memref<128x128xf32, #tpu.memory_space<vmem_shared>>) target(%dma_start3A_55 : memref<128x128xf32, #tpu.memory_space<hbm>>) target_semaphore(%run_scoped3A : memref<!tpu.dma_semaphore, #tpu.memory_space<semaphore_mem>>)
      %dma_wait3A = arith.constant 0 : i32
      %dma_wait3A_58 = tpu.memref_slice %arg5[%arg0, %add3A_45, %dma_wait3A] : memref<2x10240x128xf32, #tpu.memory_space<hbm>> -> memref<1x128x128xf32, #tpu.memory_space<hbm>>
      %dma_wait3A_59 = tpu.memref_squeeze %dma_wait3A_58 : memref<1x128x128xf32, #tpu.memory_space<hbm>> -> memref<128x128xf32, #tpu.memory_space<hbm>>
      %dma_wait3A_60 = arith.constant 0 : i32
      %dma_wait3A_61 = tpu.memref_slice %arg10[%add3A_45, %dma_wait3A_60] : memref<10240x128xf32, #tpu.memory_space<vmem_shared>> -> memref<128x128xf32, #tpu.memory_space<vmem_shared>>
      tpu.wait_dma2 semaphore(%run_scoped3A : memref<!tpu.dma_semaphore, #tpu.memory_space<semaphore_mem>>) src(%dma_wait3A_61 : memref<128x128xf32, #tpu.memory_space<vmem_shared>>) dst(%dma_wait3A_59 : memref<128x128xf32, #tpu.memory_space<hbm>>)
      tpu.yield
    }) : () -> ()
    %mul3A_46 = arith.constant 640 : i32
    %mul3A_47 = arith.muli %arg1, %mul3A_46 : i32
    %add3A_48 = arith.constant 384 : i32
    %add3A_49 = arith.addi %mul3A_47, %add3A_48 : i32
    "tpu.region"() ({
      %run_scoped3A = tpu.sem_alloc : memref<!tpu.dma_semaphore, #tpu.memory_space<semaphore_mem>>
      %dma_start3A = arith.constant 0 : i32
      %dma_start3A_54 = tpu.memref_slice %arg5[%arg0, %add3A_49, %dma_start3A] : memref<2x10240x128xf32, #tpu.memory_space<hbm>> -> memref<1x128x128xf32, #tpu.memory_space<hbm>>
      %dma_start3A_55 = tpu.memref_squeeze %dma_start3A_54 : memref<1x128x128xf32, #tpu.memory_space<hbm>> -> memref<128x128xf32, #tpu.memory_space<hbm>>
      %dma_start3A_56 = arith.constant 0 : i32
      %dma_start3A_57 = tpu.memref_slice %arg10[%add3A_49, %dma_start3A_56] : memref<10240x128xf32, #tpu.memory_space<vmem_shared>> -> memref<128x128xf32, #tpu.memory_space<vmem_shared>>
      tpu.enqueue_dma source(%dma_start3A_57 : memref<128x128xf32, #tpu.memory_space<vmem_shared>>) target(%dma_start3A_55 : memref<128x128xf32, #tpu.memory_space<hbm>>) target_semaphore(%run_scoped3A : memref<!tpu.dma_semaphore, #tpu.memory_space<semaphore_mem>>)
      %dma_wait3A = arith.constant 0 : i32
      %dma_wait3A_58 = tpu.memref_slice %arg5[%arg0, %add3A_49, %dma_wait3A] : memref<2x10240x128xf32, #tpu.memory_space<hbm>> -> memref<1x128x128xf32, #tpu.memory_space<hbm>>
      %dma_wait3A_59 = tpu.memref_squeeze %dma_wait3A_58 : memref<1x128x128xf32, #tpu.memory_space<hbm>> -> memref<128x128xf32, #tpu.memory_space<hbm>>
      %dma_wait3A_60 = arith.constant 0 : i32
      %dma_wait3A_61 = tpu.memref_slice %arg10[%add3A_49, %dma_wait3A_60] : memref<10240x128xf32, #tpu.memory_space<vmem_shared>> -> memref<128x128xf32, #tpu.memory_space<vmem_shared>>
      tpu.wait_dma2 semaphore(%run_scoped3A : memref<!tpu.dma_semaphore, #tpu.memory_space<semaphore_mem>>) src(%dma_wait3A_61 : memref<128x128xf32, #tpu.memory_space<vmem_shared>>) dst(%dma_wait3A_59 : memref<128x128xf32, #tpu.memory_space<hbm>>)
      tpu.yield
    }) : () -> ()
    %mul3A_50 = arith.constant 640 : i32
    %mul3A_51 = arith.muli %arg1, %mul3A_50 : i32
    %add3A_52 = arith.constant 512 : i32
    %add3A_53 = arith.addi %mul3A_51, %add3A_52 : i32
    "tpu.region"() ({
      %run_scoped3A = tpu.sem_alloc : memref<!tpu.dma_semaphore, #tpu.memory_space<semaphore_mem>>
      %dma_start3A = arith.constant 0 : i32
      %dma_start3A_54 = tpu.memref_slice %arg5[%arg0, %add3A_53, %dma_start3A] : memref<2x10240x128xf32, #tpu.memory_space<hbm>> -> memref<1x128x128xf32, #tpu.memory_space<hbm>>
      %dma_start3A_55 = tpu.memref_squeeze %dma_start3A_54 : memref<1x128x128xf32, #tpu.memory_space<hbm>> -> memref<128x128xf32, #tpu.memory_space<hbm>>
      %dma_start3A_56 = arith.constant 0 : i32
      %dma_start3A_57 = tpu.memref_slice %arg10[%add3A_53, %dma_start3A_56] : memref<10240x128xf32, #tpu.memory_space<vmem_shared>> -> memref<128x128xf32, #tpu.memory_space<vmem_shared>>
      tpu.enqueue_dma source(%dma_start3A_57 : memref<128x128xf32, #tpu.memory_space<vmem_shared>>) target(%dma_start3A_55 : memref<128x128xf32, #tpu.memory_space<hbm>>) target_semaphore(%run_scoped3A : memref<!tpu.dma_semaphore, #tpu.memory_space<semaphore_mem>>)
      %dma_wait3A = arith.constant 0 : i32
      %dma_wait3A_58 = tpu.memref_slice %arg5[%arg0, %add3A_53, %dma_wait3A] : memref<2x10240x128xf32, #tpu.memory_space<hbm>> -> memref<1x128x128xf32, #tpu.memory_space<hbm>>
      %dma_wait3A_59 = tpu.memref_squeeze %dma_wait3A_58 : memref<1x128x128xf32, #tpu.memory_space<hbm>> -> memref<128x128xf32, #tpu.memory_space<hbm>>
      %dma_wait3A_60 = arith.constant 0 : i32
      %dma_wait3A_61 = tpu.memref_slice %arg10[%add3A_53, %dma_wait3A_60] : memref<10240x128xf32, #tpu.memory_space<vmem_shared>> -> memref<128x128xf32, #tpu.memory_space<vmem_shared>>
      tpu.wait_dma2 semaphore(%run_scoped3A : memref<!tpu.dma_semaphore, #tpu.memory_space<semaphore_mem>>) src(%dma_wait3A_61 : memref<128x128xf32, #tpu.memory_space<vmem_shared>>) dst(%dma_wait3A_59 : memref<128x128xf32, #tpu.memory_space<hbm>>)
      tpu.yield
    }) : () -> ()
    return
  }
}

module attributes {stable_mosaic.version = 14 : i64} {
  func.func @k(%arg0: memref<32x10240xf32, #tpu.memory_space<vmem>>, %arg1: memref<1x10240xf32, #tpu.memory_space<vmem>>) attributes {dimension_semantics = [], scalar_prefetch = 0 : i64, scratch_operands = 0 : i64, tpu.core_type = #tpu.core_type<tc>} {
    %get3A = arith.constant 0 : index
    %get3A_0 = arith.constant 0 : index
    %get3A_1 = vector.load %arg0[%get3A, %get3A_0] : memref<32x10240xf32, #tpu.memory_space<vmem>>, vector<32x10240xf32>
    %reduce_sum3A = arith.constant dense<0.000000e+00> : vector<10240xf32>
    %reduce_sum3A_2 = vector.multi_reduction <add>, %get3A_1, %reduce_sum3A [0] : vector<32x10240xf32> to vector<10240xf32>
    %broadcast_in_dim3A = vector.shape_cast %reduce_sum3A_2 : vector<10240xf32> to vector<1x10240xf32>
    %add3A = arith.constant 1.000000e+00 : f32
    %add3A_3 = vector.broadcast %add3A : f32 to vector<1x10240xf32>
    %add3A_4 = arith.addf %broadcast_in_dim3A, %add3A_3 : vector<1x10240xf32>
    %rsqrt3A = math.rsqrt %add3A_4 : vector<1x10240xf32>
    %swap3A = arith.constant 0 : index
    %swap3A_5 = arith.constant 0 : index
    %swap3A_6 = vector.load %arg1[%swap3A, %swap3A_5] : memref<1x10240xf32, #tpu.memory_space<vmem>>, vector<1x10240xf32>
    tpu.vector_store %arg1[%swap3A, %swap3A_5], %rsqrt3A {strides = array<i32>} : memref<1x10240xf32, #tpu.memory_space<vmem>>, vector<1x10240xf32>,
    return
  }
}

module attributes {stable_mosaic.version = 14 : i64} {
  func.func @k(%arg0: i32, %arg1: memref<1000x1xf32, #tpu.memory_space<vmem>>, %arg2: memref<1000x128xf32, #tpu.memory_space<vmem>>, %arg3: memref<1000x128xf32, #tpu.memory_space<vmem>>) attributes {dimension_semantics = [#tpu.dimension_semantics<arbitrary>], iteration_bounds = array<i64: 10>, scalar_prefetch = 0 : i64, scratch_operands = 0 : i64, tpu.core_type = #tpu.core_type<tc>, window_params = [{transform_indices = @transform_0, window_bounds = array<i64: 1000, 1>}, {transform_indices = @transform_1, window_bounds = array<i64: 1000, 128>}, {transform_indices = @transform_2, window_bounds = array<i64: 1000, 128>}]} {
    %get3A = arith.constant 0 : index
    %get3A_0 = arith.constant 0 : index
    %get3A_1 = vector.load %arg1[%get3A, %get3A_0] : memref<1000x1xf32, #tpu.memory_space<vmem>>, vector<1000x1xf32>
    %get3A_2 = arith.constant 0 : index
    %get3A_3 = arith.constant 0 : index
    %get3A_4 = vector.load %arg2[%get3A_2, %get3A_3] : memref<1000x128xf32, #tpu.memory_space<vmem>>, vector<1000x128xf32>
    %mul3A = vector.broadcast %get3A_1 : vector<1000x1xf32> to vector<1000x128xf32>
    %mul3A_5 = arith.mulf %mul3A, %get3A_4 : vector<1000x128xf32>
    %swap3A = arith.constant 0 : index
    %swap3A_6 = arith.constant 0 : index
    %swap3A_7 = vector.load %arg3[%swap3A, %swap3A_6] : memref<1000x128xf32, #tpu.memory_space<vmem>>, vector<1000x128xf32>
    tpu.vector_store %arg3[%swap3A, %swap3A_6], %mul3A_5 {strides = array<i32>} : memref<1000x128xf32, #tpu.memory_space<vmem>>, vector<1000x128xf32>,
    return
  }
  func.func @transform_0(%arg0: i32) -> (i32, i32) {
    %c0_i32 = arith.constant 0 : i32
    %c0_i32_0 = arith.constant 0 : i32
    return %arg0, %c0_i32 : i32, i32
  }
  func.func @transform_1(%arg0: i32) -> (i32, i32) {
    %c0_i32 = arith.constant 0 : i32
    %c0_i32_0 = arith.constant 0 : i32
    return %arg0, %c0_i32 : i32, i32
  }
  func.func @transform_2(%arg0: i32) -> (i32, i32) {
    %c0_i32 = arith.constant 0 : i32
    %c0_i32_0 = arith.constant 0 : i32
    return %arg0, %c0_i32 : i32, i32
  }
}

module attributes {stable_mosaic.version = 14 : i64} {
  func.func @k(%arg0: i32, %arg1: memref<1000x128xf32, #tpu.memory_space<vmem>>, %arg2: memref<1000x128xf32, #tpu.memory_space<vmem>>, %arg3: memref<1000x128xf32, #tpu.memory_space<vmem>>, %arg4: memref<1000x1xf32, #tpu.memory_space<vmem>>, %arg5: memref<128x512xf32, #tpu.memory_space<vmem>>, %arg6: memref<512xf32, #tpu.memory_space<vmem>>, %arg7: memref<512x128xf32, #tpu.memory_space<vmem>>, %arg8: memref<1000x128xf32, #tpu.memory_space<vmem>>) attributes {dimension_semantics = [#tpu.dimension_semantics<arbitrary>], iteration_bounds = array<i64: 10>, scalar_prefetch = 0 : i64, scratch_operands = 0 : i64, tpu.core_type = #tpu.core_type<tc>, window_params = [{transform_indices = @transform_0, window_bounds = array<i64: 1000, 128>}, {transform_indices = @transform_1, window_bounds = array<i64: 1000, 128>}, {transform_indices = @transform_2, window_bounds = array<i64: 1000, 128>}, {transform_indices = @transform_3, window_bounds = array<i64: 1000, 1>}, {pipeline_mode = #tpu.pipeline_mode<synchronous>, transform_indices = @transform_4, window_bounds = array<i64: 128, 512>}, {pipeline_mode = #tpu.pipeline_mode<synchronous>, transform_indices = @transform_5, window_bounds = array<i64: 512>}, {pipeline_mode = #tpu.pipeline_mode<synchronous>, transform_indices = @transform_6, window_bounds = array<i64: 512, 128>}, {transform_indices = @transform_7, window_bounds = array<i64: 1000, 128>}]} {
    %get3A = arith.constant 0 : index
    %get3A_0 = arith.constant 0 : index
    %get3A_1 = vector.load %arg4[%get3A, %get3A_0] : memref<1000x1xf32, #tpu.memory_space<vmem>>, vector<1000x1xf32>
    %get3A_2 = arith.constant 0 : index
    %get3A_3 = arith.constant 0 : index
    %get3A_4 = vector.load %arg1[%get3A_2, %get3A_3] : memref<1000x128xf32, #tpu.memory_space<vmem>>, vector<1000x128xf32>
    %get3A_5 = arith.constant 0 : index
    %get3A_6 = arith.constant 0 : index
    %get3A_7 = vector.load %arg2[%get3A_5, %get3A_6] : memref<1000x128xf32, #tpu.memory_space<vmem>>, vector<1000x128xf32>
    %add3A = arith.addf %get3A_4, %get3A_7 : vector<1000x128xf32>
    %get3A_8 = arith.constant 0 : index
    %get3A_9 = arith.constant 0 : index
    %get3A_10 = vector.load %arg3[%get3A_8, %get3A_9] : memref<1000x128xf32, #tpu.memory_space<vmem>>, vector<1000x128xf32>
    %add3A_11 = arith.addf %add3A, %get3A_10 : vector<1000x128xf32>
    %mul3A = vector.broadcast %get3A_1 : vector<1000x1xf32> to vector<1000x128xf32>
    %mul3A_12 = arith.mulf %mul3A, %add3A_11 : vector<1000x128xf32>
    %get3A_13 = arith.constant 0 : index
    %get3A_14 = arith.constant 0 : index
    %get3A_15 = vector.load %arg5[%get3A_13, %get3A_14] : memref<128x512xf32, #tpu.memory_space<vmem>>, vector<128x512xf32>
    %dot_general3A = arith.constant dense<0.000000e+00> : vector<1000x512xf32>
    %dot_general3A_16 = tpu.matmul %mul3A_12, %get3A_15, %dot_general3A {dimension_numbers = #tpu.dot_dimension_numbers<[1], [0], [0], [1], [0, 0, 1, 1], [], []>, transpose_lhs_hint = false} : vector<1000x128xf32>, vector<128x512xf32>, vector<1000x512xf32> -> vector<1000x512xf32>
    %get3A_17 = arith.constant 0 : index
    %get3A_18 = vector.load %arg6[%get3A_17] : memref<512xf32, #tpu.memory_space<vmem>>, vector<512xf32>
    %broadcast_in_dim3A = vector.shape_cast %get3A_18 : vector<512xf32> to vector<1x512xf32>
    %add3A_19 = vector.broadcast %broadcast_in_dim3A : vector<1x512xf32> to vector<1000x512xf32>
    %add3A_20 = arith.addf %dot_general3A_16, %add3A_19 : vector<1000x512xf32>
    %max3A = arith.constant 0.000000e+00 : f32
    %max3A_21 = vector.broadcast %max3A : f32 to vector<1000x512xf32>
    %max3A_22 = arith.maximumf %add3A_20, %max3A_21 : vector<1000x512xf32>
    %get3A_23 = arith.constant 0 : index
    %get3A_24 = arith.constant 0 : index
    %get3A_25 = vector.load %arg4[%get3A_23, %get3A_24] : memref<1000x1xf32, #tpu.memory_space<vmem>>, vector<1000x1xf32>
    %get3A_26 = arith.constant 0 : index
    %get3A_27 = arith.constant 0 : index
    %get3A_28 = vector.load %arg7[%get3A_26, %get3A_27] : memref<512x128xf32, #tpu.memory_space<vmem>>, vector<512x128xf32>
    %dot_general3A_29 = arith.constant dense<0.000000e+00> : vector<1000x128xf32>
    %dot_general3A_30 = tpu.matmul %max3A_22, %get3A_28, %dot_general3A_29 {dimension_numbers = #tpu.dot_dimension_numbers<[1], [0], [0], [1], [0, 0, 1, 1], [], []>, transpose_lhs_hint = false} : vector<1000x512xf32>, vector<512x128xf32>, vector<1000x128xf32> -> vector<1000x128xf32>
    %mul3A_31 = vector.broadcast %get3A_25 : vector<1000x1xf32> to vector<1000x128xf32>
    %mul3A_32 = arith.mulf %mul3A_31, %dot_general3A_30 : vector<1000x128xf32>
    %swap3A = arith.constant 0 : index
    %swap3A_33 = arith.constant 0 : index
    %swap3A_34 = vector.load %arg8[%swap3A, %swap3A_33] : memref<1000x128xf32, #tpu.memory_space<vmem>>, vector<1000x128xf32>
    tpu.vector_store %arg8[%swap3A, %swap3A_33], %mul3A_32 {strides = array<i32>} : memref<1000x128xf32, #tpu.memory_space<vmem>>, vector<1000x128xf32>,
    return
  }
  func.func @transform_0(%arg0: i32) -> (i32, i32) {
    %c0_i32 = arith.constant 0 : i32
    %c0_i32_0 = arith.constant 0 : i32
    return %arg0, %c0_i32 : i32, i32
  }
  func.func @transform_1(%arg0: i32) -> (i32, i32) {
    %c0_i32 = arith.constant 0 : i32
    %c0_i32_0 = arith.constant 0 : i32
    return %arg0, %c0_i32 : i32, i32
  }
  func.func @transform_2(%arg0: i32) -> (i32, i32) {
    %c0_i32 = arith.constant 0 : i32
    %c0_i32_0 = arith.constant 0 : i32
    return %arg0, %c0_i32 : i32, i32
  }
  func.func @transform_3(%arg0: i32) -> (i32, i32) {
    %c0_i32 = arith.constant 0 : i32
    %c0_i32_0 = arith.constant 0 : i32
    return %arg0, %c0_i32 : i32, i32
  }
  func.func @transform_4(%arg0: i32) -> (i32, i32) {
    %c0_i32 = arith.constant 0 : i32
    %c0_i32_0 = arith.constant 0 : i32
    %c0_i32_1 = arith.constant 0 : i32
    return %c0_i32, %c0_i32_0 : i32, i32
  }
  func.func @transform_5(%arg0: i32) -> i32 {
    %c0_i32 = arith.constant 0 : i32
    %c0_i32_0 = arith.constant 0 : i32
    return %c0_i32 : i32
  }
  func.func @transform_6(%arg0: i32) -> (i32, i32) {
    %c0_i32 = arith.constant 0 : i32
    %c0_i32_0 = arith.constant 0 : i32
    %c0_i32_1 = arith.constant 0 : i32
    return %c0_i32, %c0_i32_0 : i32, i32
  }
  func.func @transform_7(%arg0: i32) -> (i32, i32) {
    %c0_i32 = arith.constant 0 : i32
    %c0_i32_0 = arith.constant 0 : i32
    return %arg0, %c0_i32 : i32, i32
  }
}

module attributes {stable_mosaic.version = 14 : i64} {
  func.func @k(%arg0: i32, %arg1: memref<1000x128xf32, #tpu.memory_space<vmem>>, %arg2: memref<1000x128xf32, #tpu.memory_space<vmem>>, %arg3: memref<1000x128xf32, #tpu.memory_space<vmem>>, %arg4: memref<1000x1xf32, #tpu.memory_space<vmem>>, %arg5: memref<128xf32, #tpu.memory_space<vmem>>, %arg6: memref<1000x128xf32, #tpu.memory_space<vmem>>) attributes {dimension_semantics = [#tpu.dimension_semantics<arbitrary>], iteration_bounds = array<i64: 10>, scalar_prefetch = 0 : i64, scratch_operands = 0 : i64, tpu.core_type = #tpu.core_type<tc>, window_params = [{transform_indices = @transform_0, window_bounds = array<i64: 1000, 128>}, {transform_indices = @transform_1, window_bounds = array<i64: 1000, 128>}, {transform_indices = @transform_2, window_bounds = array<i64: 1000, 128>}, {transform_indices = @transform_3, window_bounds = array<i64: 1000, 1>}, {pipeline_mode = #tpu.pipeline_mode<synchronous>, transform_indices = @transform_4, window_bounds = array<i64: 128>}, {transform_indices = @transform_5, window_bounds = array<i64: 1000, 128>}]} {
    %get3A = arith.constant 0 : index
    %get3A_0 = arith.constant 0 : index
    %get3A_1 = vector.load %arg4[%get3A, %get3A_0] : memref<1000x1xf32, #tpu.memory_space<vmem>>, vector<1000x1xf32>
    %get3A_2 = arith.constant 0 : index
    %get3A_3 = arith.constant 0 : index
    %get3A_4 = vector.load %arg1[%get3A_2, %get3A_3] : memref<1000x128xf32, #tpu.memory_space<vmem>>, vector<1000x128xf32>
    %get3A_5 = arith.constant 0 : index
    %get3A_6 = arith.constant 0 : index
    %get3A_7 = vector.load %arg2[%get3A_5, %get3A_6] : memref<1000x128xf32, #tpu.memory_space<vmem>>, vector<1000x128xf32>
    %add3A = arith.addf %get3A_4, %get3A_7 : vector<1000x128xf32>
    %get3A_8 = arith.constant 0 : index
    %get3A_9 = arith.constant 0 : index
    %get3A_10 = vector.load %arg3[%get3A_8, %get3A_9] : memref<1000x128xf32, #tpu.memory_space<vmem>>, vector<1000x128xf32>
    %add3A_11 = arith.addf %add3A, %get3A_10 : vector<1000x128xf32>
    %mul3A = vector.broadcast %get3A_1 : vector<1000x1xf32> to vector<1000x128xf32>
    %mul3A_12 = arith.mulf %mul3A, %add3A_11 : vector<1000x128xf32>
    %get3A_13 = arith.constant 0 : index
    %get3A_14 = vector.load %arg5[%get3A_13] : memref<128xf32, #tpu.memory_space<vmem>>, vector<128xf32>
    %broadcast_in_dim3A = vector.shape_cast %get3A_14 : vector<128xf32> to vector<1x128xf32>
    %add3A_15 = vector.broadcast %broadcast_in_dim3A : vector<1x128xf32> to vector<1000x128xf32>
    %add3A_16 = arith.addf %mul3A_12, %add3A_15 : vector<1000x128xf32>
    %swap3A = arith.constant 0 : index
    %swap3A_17 = arith.constant 0 : index
    %swap3A_18 = vector.load %arg6[%swap3A, %swap3A_17] : memref<1000x128xf32, #tpu.memory_space<vmem>>, vector<1000x128xf32>
    tpu.vector_store %arg6[%swap3A, %swap3A_17], %add3A_16 {strides = array<i32>} : memref<1000x128xf32, #tpu.memory_space<vmem>>, vector<1000x128xf32>,
    return
  }
  func.func @transform_0(%arg0: i32) -> (i32, i32) {
    %c0_i32 = arith.constant 0 : i32
    %c0_i32_0 = arith.constant 0 : i32
    return %arg0, %c0_i32 : i32, i32
  }
  func.func @transform_1(%arg0: i32) -> (i32, i32) {
    %c0_i32 = arith.constant 0 : i32
    %c0_i32_0 = arith.constant 0 : i32
    return %arg0, %c0_i32 : i32, i32
  }
  func.func @transform_2(%arg0: i32) -> (i32, i32) {
    %c0_i32 = arith.constant 0 : i32
    %c0_i32_0 = arith.constant 0 : i32
    return %arg0, %c0_i32 : i32, i32
  }
  func.func @transform_3(%arg0: i32) -> (i32, i32) {
    %c0_i32 = arith.constant 0 : i32
    %c0_i32_0 = arith.constant 0 : i32
    return %arg0, %c0_i32 : i32, i32
  }
  func.func @transform_4(%arg0: i32) -> i32 {
    %c0_i32 = arith.constant 0 : i32
    %c0_i32_0 = arith.constant 0 : i32
    return %c0_i32 : i32
  }
  func.func @transform_5(%arg0: i32) -> (i32, i32) {
    %c0_i32 = arith.constant 0 : i32
    %c0_i32_0 = arith.constant 0 : i32
    return %arg0, %c0_i32 : i32, i32
  }
}

</mosaic_0001>

<sc_bundles>
// kernel: kernel.12.cloned.1.call-start
scs
__scs_entry_jumppad:
0x0: {  	(pc) =	sbr.rel $0x88, $3  }
0x1: {  	(tag) =	ssettag $0x0;
	lr =	simm.s32 $0x1  }
0x2: {  	[smem:$0x3F9B] =	sst lr;
	_ =	strace $0xD0000000  }
0x3: {  	_ = 	snop  }
0x4: {  	_ = 	snop  }
0x5: {  	_ = 	snop  }
0x6: {  	_ = 	snop  }
0x7: {  	_ = 	snop  }
__scs_overlays_trampoline_lowered:
0x8: {  	[smem:$0x3FAA] =	sst s0  }
0x9: {  	[smem:$0x3FAB] =	sst s1  }
0xa: {  	[smem:$0x3FAC] =	sst s2  }
0xb: {  	[smem:$0x3FAD] =	sst s3  }
0xc: {  	[smem:$0x3FAE] =	sst s4  }
0xd: {  	[smem:$0x3FAF] =	sst s5  }
0xe: {  	[smem:$0x3FB0] =	sst s6  }
0xf: {  	[smem:$0x3FB1] =	sst s7  }
0x10: {  	[smem:$0x3FB2] =	sst s8  }
0x11: {  	[smem:$0x3FB3] =	sst s9;
	s0 =	simm.s32 @!p0 $0x0  }
0x12: {  	s1 =	sld [smem:$0x3F99];
	s0 =	simm.s32 @p0 $0x1  }
0x13: {  	[smem:$0x3FB4] =	sst s0;
	s0 =	simm.s32 @!p1 $0x0  }
0x14: {  	s2 =	sld [smem:$0x3F98];
	s0 =	simm.s32 @p1 $0x1  }
0x15: {  	[smem:$0x3FB5] =	sst s0;
	s0 =	simm.s32 @!p2 $0x0  }
0x16: {  	s3 =	sld [smem:$0x3FDB];
	s0 =	simm.s32 @p2 $0x1  }
0x17: {  	s4 =	simm.s32 $0x1BF5;
	[smem:$0x3FB7] =	sst s0  }
0x18: {  	s0 =	sld [smem:$0x3F9A];
	_ =	swait.ge [sflag:s4], $0x0  }
0x19: {  	s7 =	sld [smem:$0x3F9B]  }
0x1a: {  	s8 =	sadd.s32 $0xFFFFE003, lr  }
0x1b: {  	s9 =	sadd.s32 $0xFFFFFEF7, lr;
	s5 =	simm.s32 $0xFFFFFFFF;
	p2 =	slt.u32 s8, $0xFFFFF086  }
0x1c: {  	p1 =	slt.u32 s9, $0xF7A;
	s5 =	simm.s32 @!p2 $0x0  }
0x1d: {  	s5 =	simm.s32 @p1 $0x1;
	p0 =	seq.s32 s7, s2  }
0x1e: {  	s7 =	smul.u32 @!p0 $0xF7A, s2;
	p2 =	seq.s32 @!p0 s5, $0x0  }
0x1f: {  	s9 =	smul.u32 $0xF7A, s1;
	s8 =	simm.s32 @!p0 $0x1BF5;
	p2 =	por !p2, p0  }
0x20: {  	[sflag:s8] =	ssyncset.s32 @!p0 $0xFFFFF086;
	s6 =	sadd.s32 @!p0 s3, s7;
	s7 =	simm.s32 @!p0 $0x108  }
0x21: {  	s3 =	sadd.s32 s3, s9;
	s6 =	sadd.s32 @!p0 $0x88, s6;
	s7 =	simm.s32 @p2 $0x1082  }
0x22: {  	[simem:s7], [sflag:s8] =	dma.local @!p0 [hbm:s6], $0xF7A  }
0x23: {  	s9 =	sor.u32 $0xD0000000, s2;
	s6 =	simm.s32 $0x108;
	_ =	swait.ge @!p0 [sflag:s8], $0x0  }
0x24: {  	s3 =	sadd.s32 $0x88, s3;
	s6 =	simm.s32 @!p1 $0x1082;
	[sflag:s4] =	ssyncset.s32 $0xFFFFF086  }
0x25: {  	[simem:s6], [sflag:s4] =	dma.local [hbm:s3], $0xF7A  }
0x26: {  	[smem:$0x3F9B] =	sst s1;
	(tag) =	ssettag s2;
	_ =	strace s9  }
0x27: {  	s1 =	sld [smem:$0x3FAB]  }
0x28: {  	s2 =	sld [smem:$0x3FAC]  }
0x29: {  	s4 =	sld [smem:$0x3FAE]  }
0x2a: {  	p0 =	seq.s32 s5, $0x0;
	s5 =	sld [smem:$0x3FAF]  }
0x2b: {  	s6 =	sld [smem:$0x3FB0]  }
0x2c: {  	s7 =	sld [smem:$0x3FB1]  }
0x2d: {  	s3 =	simm.s32 $0x108;
	s8 =	sld [smem:$0x3FB2]  }
0x2e: {  	s3 =	simm.s32 @!p0 $0x1082;
	s9 =	sld [smem:$0x3FB3]  }
0x2f: {  	lr =	sadd.s32 s0, s3;
	s0 =	sld [smem:$0x3FAA]  }
0x30: {  	s3 =	sld [smem:$0x3FAD]  }
0x31: {  	[smem:$0x3FB6] =	sst s10  }
0x32: {  	s10 =	sld [smem:$0x3FB4];
	_ =	sdelay $0x3  }
0x33: {  	p0 =	seq.s32 s10, $0x1;
	s10 =	sld [smem:$0x3FB6];
	_ =	sdelay $0x3  }
0x34: {  	[smem:$0x3FB6] =	sst s10  }
0x35: {  	s10 =	sld [smem:$0x3FB5];
	_ =	sdelay $0x3  }
0x36: {  	p1 =	seq.s32 s10, $0x1;
	s10 =	sld [smem:$0x3FB6];
	_ =	sdelay $0x3  }
0x37: {  	[smem:$0x3FB6] =	sst s10  }
0x38: {  	s10 =	sld [smem:$0x3FB7]  }
0x39: {  	_ = 	snop;
	(pc) =	sbr.ind lr, $3  }
0x3a: {  	_ = 	snop  }
0x3b: {  	_ = 	snop  }
0x3c: {  	p2 =	seq.s32 s10, $0x1;
	s10 =	sld [smem:$0x3FB6]  }
0x3d: {  	_ =	shalt  }
0x3e: {  	_ =	shalt  }
0x3f: {  	_ =	shalt  }
0x40: {  	_ =	shalt  }
0x41: {  	_ =	shalt  }
0x42: {  	_ =	shalt  }
0x43: {  	_ =	shalt  }
0x44: {  	_ =	shalt  }
0x45: {  	_ =	shalt  }
0x46: {  	_ =	shalt  }
0x47: {  	_ =	shalt  }
0x48: {  	_ =	shalt  }
0x49: {  	_ =	shalt  }
0x4a: {  	_ =	shalt  }
0x4b: {  	_ =	shalt  }
0x4c: {  	_ =	shalt  }
0x4d: {  	_ =	shalt  }
0x4e: {  	_ =	shalt  }
0x4f: {  	_ =	shalt  }
0x50: {  	_ =	shalt  }
0x51: {  	_ =	shalt  }
0x52: {  	_ =	shalt  }
0x53: {  	_ =	shalt  }
0x54: {  	_ =	shalt  }
0x55: {  	_ =	shalt  }
0x56: {  	_ =	shalt  }
0x57: {  	_ =	shalt  }
0x58: {  	_ =	shalt  }
0x59: {  	_ =	shalt  }
0x5a: {  	_ =	shalt  }
0x5b: {  	_ =	shalt  }
0x5c: {  	_ =	shalt  }
0x5d: {  	_ =	shalt  }
0x5e: {  	_ =	shalt  }
0x5f: {  	_ =	shalt  }
0x60: {  	_ =	shalt  }
0x61: {  	_ =	shalt  }
0x62: {  	_ =	shalt  }
0x63: {  	_ =	shalt  }
0x64: {  	_ =	shalt  }
0x65: {  	_ =	shalt  }
0x66: {  	_ =	shalt  }
0x67: {  	_ =	shalt  }
0x68: {  	_ =	shalt  }
0x69: {  	_ =	shalt  }
0x6a: {  	_ =	shalt  }
0x6b: {  	_ =	shalt  }
0x6c: {  	_ =	shalt  }
0x6d: {  	_ =	shalt  }
0x6e: {  	_ =	shalt  }
0x6f: {  	_ =	shalt  }
0x70: {  	_ =	shalt  }
0x71: {  	_ =	shalt  }
0x72: {  	_ =	shalt  }
0x73: {  	_ =	shalt  }
0x74: {  	_ =	shalt  }
0x75: {  	_ =	shalt  }
0x76: {  	_ =	shalt  }
0x77: {  	_ =	shalt  }
0x78: {  	_ =	shalt  }
0x79: {  	_ =	shalt  }
0x7a: {  	_ =	shalt  }
0x7b: {  	_ =	shalt  }
0x7c: {  	_ =	shalt  }
0x7d: {  	_ =	shalt  }
0x7e: {  	_ =	shalt  }
0x7f: {  	_ =	shalt  }
0x80: {  	_ =	shalt  }
0x81: {  	_ =	shalt  }
0x82: {  	_ =	shalt  }
0x83: {  	_ =	shalt  }
0x84: {  	_ =	shalt  }
0x85: {  	_ =	shalt  }
0x86: {  	_ =	shalt  }
0x87: {  	_ =	shalt  }
.Lfunc_end0:
.L_simem_size_0:
called_computation.1_lowered:
.L_overlay_start_0:
0x88: {  	s2 =	sld [smem:$0x3FD9]  }
0x89: {  	s3 =	sld [smem:$0x3FFE];
	_ =	sdelay $0x1  }
0x8a: {  	s1 =	srdreg.scid  }
0x8b: {  	s0 =	sand.u32 $0x1, s1  }
0x8c: {  	s17 =	sshll.u32 s0, $0xA;
	s2 =	sadd.s32 s3, s2  }
0x8d: {  	s2 =	sadd.s32 s2, s17  }
0x8e: {  	[smem:$0x3FC2] =	sst s2  }
0x8f: {  	_ = 	snop  }
0x90: {  	s2 =	sld [smem:$0x3FD0];
	(tm) =	ssettm $0x1  }
0x91: {  	s18 =	sld [smem:$0x3FFB];
	_ =	sdelay $0x3  }
0x92: {  	_ =	strace s18  }
0x93: {  	s3 =	sld [smem:$0x3FFC];
	_ =	sdelay $0x3  }
0x94: {  	_ =	strace s3  }
0x95: {  	s3 =	sld [smem:$0x3FFD];
	_ =	sdelay $0x3  }
0x96: {  	_ =	strace s3  }
0x97: {  	_ =	strace $0x8FFFFFFF  }
0x98: {  	s19 =	sld [smem:$0x3FDB];
	_ =	sdelay $0x1  }
0x99: {  	s4 =	simm.s32 $_scs_section_size  }
0x9a: {  	s5 =	simm.s32 $_size__tile_overlayer_lowered;
	s6 =	simm.s32 $_tile_overlayer_lowered  }
0x9b: {  	s22 =	simm.s32 $0x1BFF;
	s21 =	sshll.u32 s6, $0x1;
	s3 =	sadd.s32 s4, s19  }
0x9c: {  	s7 =	simm.s32 $0x0;
	s20 =	sshll.u32 s5, $0x1;
	s5 =	sadd.s32 s21, s3  }
0x9d: {  	[timem:s7], [sflag:s22] =	dma.local [hbm:s5], s20  }
0x9e: {  	_ =	swait.ge [sflag:s22], s20  }
0x9f: {  	s4 =	ssub.s32 $0x0, s20;
	[sflag:s22] =	ssyncset.done $0x0  }
0xa0: {  	[sflag:s22] =	ssyncadd.s32 s4;
	_ =	sdelay $0x1  }
0xa1: {  	s23 =	simm.s32 $0x1B8B  }
0xa2: {  	_ =	swait.ge [sflag:s23], $0x1  }
0xa3: {  	[sflag:s23] =	ssyncset.done $0x0  }
0xa4: {  	s25 =	simm.s32 $0x1B8E;
	s24 =	sld [smem:$0x3FFE];
	[sflag:s23] =	ssyncadd.s32 $0xFFFFFFFF  }
0xa5: {  	s26 =	simm.s32 $execute0_lowered;
	[smem:$0x3FD2] =	sst s25  }
0xa6: {  	s5 =	sshll.u32 s26, $0x1;
	_ =	strace $0x80000049;
	[dreg:$0x1] =	wrdreg $0xFFFFFFFF  }
0xa7: {  	s28 =	simm.s32 $_size_execute0_lowered;
	s3 =	sadd.s32 s3, s5;
	[dreg:$0x0] =	wrdreg $0x0  }
0xa8: {  	s5 =	sshll.u32 s28, $0x1;
	[dreg:$0x2] =	wrdreg s3  }
0xa9: {  	[dreg:$0x3] =	wrdreg s5  }
0xaa: {  	[dreg:$0x4] =	wrdreg $0xC0  }
0xab: {  	_ =	task [dreg:s7], $0x5FFFF  }
0xac: {  	[dreg:$0x1] =	wrdreg $0xFFFFFFFF  }
0xad: {  	[dreg:$0x0] =	wrdreg $0x60  }
0xae: {  	[dreg:$0x2] =	wrdreg s24  }
0xaf: {  	[dreg:$0x3] =	wrdreg s2  }
0xb0: {  	[dreg:$0x4] =	wrdreg $0x90800  }
0xb1: {  	[dreg:$0x5] =	wrdreg $0x9  }
0xb2: {  	_ =	task.clear_ibuf [dreg:s7], $0x6FFFF;
	_ =	strace $0x90000049  }
0xb3: {  	s29 =	simm.s32 $0x9;
	_ =	strace $0x8000004B  }
0xb4: {  	_ =	swait.ge [sflag:s29], $0x1  }
0xb5: {  	[sflag:s29] =	ssyncadd.s32 $0xFFFFFFFF  }
0xb6: {  	_ =	strace $0x9000004B  }
0xb7: {  	_ =	sfence  }
0xb8: {  	s30 =	sld [smem:$0x0];
	_ =	sdelay $0x2  }
0xb9: {  	s31 =	sshll.u32 s1, $0xD;
	s1 =	sshrl.u32 s1, $0x2  }
0xba: {  	s3 =	sand.u32 $0x4000, s31;
	s1 =	sadd.s32 s1, s30  }
0xbb: {  	s0 =	sor.u32 s3, s0;
	s1 =	sshll.u32 s1, $0x11  }
0xbc: {  	s0 =	sor.u32 s1, s0  }
0xbd: {  	s0 =	sadd.s32 $0x8F2B, s0  }
0xbe: {  	[sflag:s0] =	ssyncadd.remote.s32 $0x1  }
0xbf: {  	_ =	sfence.sel $0xFFFF  }
0xc0: {  	[dreg:$0x0] =	wrdreg $0xFFFFFFFF;
	(pc) =	sbr.abs _section_cstart, $3  }
0xc1: {  	[dreg:$0x1] =	wrdreg $0xFFFFFFFF  }
0xc2: {  	_ =	task.clear_ibuf [dreg:s7], $0x2FFFF;
	_ =	strace $0x9FFFFFFF  }
0xc3: {  	(tm) =	ssettm $0x7FFFFFFF  }
tec
execute0_lowered:
.L_overlay_start_1:
0x0: {  	(tag) =	ssettag $0x1  }
0x1: {  	s5 =	rddreg [dreg:$0x0]  }
0x2: {  	s0 =	srdreg.scid;
	s2 =	rddreg [dreg:$0x1]  }
0x3: {  	s3 =	rddreg [dreg:$0x2];
	s1 =	stileid.u32  }
0x4: {  	s4 =	simm.s32 $0x0;
	s21 =	simm.s32 $0x80;
	s22 =	simm.s32 $0x1  }
0x5: {  	s23 =	simm.s32 $0x5000;
	s8 =	sand.u32 $0x1, s0;
	s0 =	rddreg [dreg:$0x3]  }
0x6: {  	s24 =	simm.s32 $0x0;
	[smem:$0x7FF] =	sst s4;
	s10 =	smul.u32 $0x50000, s1  }
0x7: {  	s16 =	sadd.s32 $0x3E400, s5;
	s11 =	smul.u32 $0x14000, s1;
	s6 =	sshll.u32 s8, $0x4  }
0x8: {  	_ =	strace $0x8000004A;
	s7 =	ssub.s32 $0x2, s8;
	s14 =	smul.u32 $0x140000, s8  }
0x9: {  	s6 =	sor.u32 s1, s6;
	s9 =	sshrl.u32 s7, $0x1;
	s29 =	sshrl.u32 s10, $0x2  }
0xa: {  	s12 =	sadd.s32 $0x4000, s11;
	s15 =	sadd.s32 $0x8000, s11;
	s18 =	sadd.s32 $0xC000, s11  }
0xb: {  	s19 =	sadd.s32 $0x10000, s11;
	s6 =	smul.u32 $0x500, s6;
	s17 =	ssub.s32 s7, s9  }
0xc: {  	s7 =	sadd.s32 s29, s3;
	s8 =	sadd.s32 s12, s3;
	s9 =	sadd.s32 s15, s3  }
0xd: {  	s10 =	sadd.s32 s18, s3;
	s13 =	sadd.s32 s11, s14;
	s20 =	sadd.s32 s14, s12  }
0xe: {  	s11 =	sadd.s32 s19, s3;
	s15 =	sadd.s32 s14, s15;
	s18 =	sadd.s32 s14, s18  }
0xf: {  	s19 =	sadd.s32 s14, s19;
	s13 =	sshrl.u32 s13, $0x3;
	s30 =	sshrl.u32 s20, $0x3  }
0x10: {  	s15 =	sshrl.u32 s15, $0x3;
	s18 =	sshrl.u32 s18, $0x3;
	s31 =	sshrl.u32 s19, $0x3  }
0x11: {  	s17 =	smax.u32 s17, $0x1;
	s19 =	simm.s32 $0x2800;
	s20 =	simm.s32 $0x5080  }
0x12: {  	s6 =	sadd.s32 s6, s5;
	s12 =	sadd.s32 s16, s13;
	s13 =	sadd.s32 s16, s30  }
0x13: {  	s14 =	sadd.s32 s16, s15;
	s15 =	sadd.s32 s16, s18;
	s16 =	sadd.s32 s16, s31  }
0x14: {  	v0 =	vimm.f32 $0.0e+00;
	s18 =	simm.s32 $0x2;
	s5 =	sadd.s32 $0xD200, s6;
	s6 =	sadd.s32 $0x3200, s6  }
.LBB2_1:
0x15: {  	[tilespmem:s4], [sflag:$0x2] =	stream.linear.gather [hbm4b:s5+s4], $0x2800, $0x38;
	[tilespmem:$0x1D080] =	vst v63  }
0x16: {  	_ =	swait.ge [sflag:s18], $0x2800  }
0x17: {  	[sflag:s18] =	ssyncset.done $0x0  }
0x18: {  	[sflag:s18] =	ssyncadd.s32 $0xFFFFD800  }
0x19: {  	[tilespmem:s19], [sflag:$0x2] =	stream.linear.gather [hbm4b:s6+s4], $0x2800, $0x38;
	[tilespmem:$0x1D080] =	vst v63  }
0x1a: {  	_ =	swait.ge [sflag:s18], $0x2800  }
0x1b: {  	[sflag:s18] =	ssyncset.done $0x0  }
0x1c: {  	s25 =	simm.s32 $0x0;
	s26 =	simm.s32 $0x200;
	[sflag:s18] =	ssyncadd.s32 $0xFFFFD800  }
.LBB2_2:
0x1d: {  	p0 =	sne.s32 s26, $0xFE00;
	[tilespmem:s25+$0x50F0] =	vst v0  }
0x1e: {  	[tilespmem:s25+$0x5080] =	vst v0  }
0x1f: {  	[tilespmem:s25+$0x5090] =	vst v0  }
.Ltmp0:
0x20: {  	[tilespmem:s25+$0x50A0] =	vst v0;
	(pc) =	sbr.rel @p0 .LBB2_2-.Ltmp0, $4  }
0x21: {  	[tilespmem:s25+$0x50B0] =	vst v0  }
0x22: {  	[tilespmem:s25+$0x50C0] =	vst v0  }
0x23: {  	[tilespmem:s25+$0x50D0] =	vst v0  }
0x24: {  	[tilespmem:s25+$0x50E0] =	vst v0;
	s25 =	sshra.s32 s26, $0x2;
	s26 =	sadd.s32 $0x200, s26  }
0x25: {  	[tilespmem:s25+$0x50F0] =	vst v0  }
0x26: {  	[tilespmem:s25+$0x5080] =	vst v0  }
0x27: {  	[tilespmem:s25+$0x5090] =	vst v0  }
0x28: {  	[tilespmem:s25+$0x50A0] =	vst v0  }
0x29: {  	[tilespmem:s25+$0x50B0] =	vst v0  }
0x2a: {  	[tilespmem:s25+$0x50C0] =	vst v0  }
0x2b: {  	[tilespmem:s25+$0x50D0] =	vst v0  }
0x2c: {  	[tilespmem:s25+$0x50E0] =	vst v0  }
0x2d: {  	[spmem:s7] =	stream.linear.scatter [tilespmem:s20], [sflag:$0x2], $0x4000, $0x38;
	[tilespmem:$0x1D080] =	vst v63  }
0x2e: {  	_ =	swait.ge [sflag:s18], $0x4000  }
0x2f: {  	[sflag:s18] =	ssyncset.done $0x0  }
0x30: {  	[sflag:s18] =	ssyncadd.s32 $0xFFFFC000  }
0x31: {  	[spmem:s8] =	stream.linear.scatter [tilespmem:s20], [sflag:$0x2], $0x4000, $0x38;
	[tilespmem:$0x1D080] =	vst v63  }
0x32: {  	_ =	swait.ge [sflag:s18], $0x4000  }
0x33: {  	[sflag:s18] =	ssyncset.done $0x0  }
0x34: {  	[sflag:s18] =	ssyncadd.s32 $0xFFFFC000  }
0x35: {  	[spmem:s9] =	stream.linear.scatter [tilespmem:s20], [sflag:$0x2], $0x4000, $0x38;
	[tilespmem:$0x1D080] =	vst v63  }
0x36: {  	_ =	swait.ge [sflag:s18], $0x4000  }
0x37: {  	[sflag:s18] =	ssyncset.done $0x0  }
0x38: {  	[sflag:s18] =	ssyncadd.s32 $0xFFFFC000  }
0x39: {  	[spmem:s10] =	stream.linear.scatter [tilespmem:s20], [sflag:$0x2], $0x4000, $0x38;
	[tilespmem:$0x1D080] =	vst v63  }
0x3a: {  	_ =	swait.ge [sflag:s18], $0x4000  }
0x3b: {  	[sflag:s18] =	ssyncset.done $0x0  }
0x3c: {  	[sflag:s18] =	ssyncadd.s32 $0xFFFFC000  }
0x3d: {  	[spmem:s11] =	stream.linear.scatter [tilespmem:s20], [sflag:$0x2], $0x4000, $0x38;
	[tilespmem:$0x1D080] =	vst v63  }
0x3e: {  	_ =	swait.ge [sflag:s18], $0x4000  }
0x3f: {  	[sflag:s18] =	ssyncset.done $0x0  }
0x40: {  	[sflag:s18] =	ssyncadd.s32 $0xFFFFC000  }
0x41: {  	s31 =	simm.s32 $0x0;
	[bflag:$0x0] =	sbarrier.arrive $0xFFFF  }
0x42: {  	[tilespmem:s20], [sflag:$0x1] =	stream.indirect.gather [hbm4b:s2+s21], $0x80, s31, s21, $0xb8;
	[tilespmem:$0x1D080] =	vst v63  }
0x43: {  	_ =	swait.ge [sflag:s22], $0x4000  }
0x44: {  	[sflag:s22] =	ssyncset.done $0x0  }
0x45: {  	[sflag:s22] =	ssyncadd.s32 $0xFFFFC000  }
0x46: {  	v1 =	vld [tilespmem:s31+$0x2800];
	_ =	sdelay $0x4  }
0x47: {  	[tilespmem:$0x5000] =	vst v1  }
0x48: {  	v1 =	vld [tilespmem:s31+$0x2810];
	_ =	sdelay $0x4  }
0x49: {  	[tilespmem:$0x5010] =	vst v1  }
0x4a: {  	v1 =	vld [tilespmem:s31+$0x2820];
	_ =	sdelay $0x4  }
0x4b: {  	[tilespmem:$0x5020] =	vst v1  }
0x4c: {  	v1 =	vld [tilespmem:s31+$0x2830];
	_ =	sdelay $0x4  }
0x4d: {  	[tilespmem:$0x5030] =	vst v1  }
0x4e: {  	v1 =	vld [tilespmem:s31+$0x2840];
	_ =	sdelay $0x4  }
0x4f: {  	[tilespmem:$0x5040] =	vst v1  }
0x50: {  	v1 =	vld [tilespmem:s31+$0x2850];
	_ =	sdelay $0x4  }
0x51: {  	[tilespmem:$0x5050] =	vst v1  }
0x52: {  	v1 =	vld [tilespmem:s31+$0x2860];
	_ =	sdelay $0x4  }
0x53: {  	[tilespmem:$0x5060] =	vst v1  }
0x54: {  	v1 =	vld [tilespmem:s31+$0x2870];
	_ =	sdelay $0x4  }
0x55: {  	[tilespmem:$0x5070] =	vst v1  }
0x56: {  	[spmem:s3] =	stream.indirect.scatter.add.f32 [tilespmem:s20], [sflag:$0x2], $0x80, s23, s21, $0xb8;
	[tilespmem:$0x1D080] =	vst v63  }
0x57: {  	_ =	swait.ge [sflag:s18], $0x4000  }
0x58: {  	s25 =	simm.s32 $0x200;
	s29 =	simm.s32 $0x400;
	[sflag:s18] =	ssyncset.done $0x0  }
.LBB2_4:
0x59: {  	s28 =	sshra.s32 s25, $0x2  }
0x5a: {  	[sflag:s18] =	ssyncadd.s32 $0xFFFFC000;
	s25 =	smov.u32 s29;
	s26 =	sadd.s32 $0x200, s29  }
0x5b: {  	[tilespmem:s20], [sflag:$0x1] =	stream.indirect.gather [hbm4b:s2+s21], $0x80, s28, s21, $0xb8;
	[tilespmem:$0x1D080] =	vst v63  }
0x5c: {  	p0 =	sne.s32 s29, $0x9E00;
	_ =	swait.ge [sflag:s22], $0x4000  }
0x5d: {  	[sflag:s22] =	ssyncset.done $0x0  }
0x5e: {  	[sflag:s22] =	ssyncadd.s32 $0xFFFFC000  }
0x5f: {  	v1 =	vld [tilespmem:s28+$0x2800];
	_ =	sdelay $0x4  }
0x60: {  	[tilespmem:$0x5000] =	vst v1  }
0x61: {  	v1 =	vld [tilespmem:s28+$0x2810];
	_ =	sdelay $0x4  }
0x62: {  	[tilespmem:$0x5010] =	vst v1  }
0x63: {  	v1 =	vld [tilespmem:s28+$0x2820];
	_ =	sdelay $0x4  }
0x64: {  	[tilespmem:$0x5020] =	vst v1  }
0x65: {  	v1 =	vld [tilespmem:s28+$0x2830];
	_ =	sdelay $0x4  }
0x66: {  	[tilespmem:$0x5030] =	vst v1  }
0x67: {  	v1 =	vld [tilespmem:s28+$0x2840];
	_ =	sdelay $0x4  }
0x68: {  	[tilespmem:$0x5040] =	vst v1  }
0x69: {  	v1 =	vld [tilespmem:s28+$0x2850];
	_ =	sdelay $0x4  }
0x6a: {  	[tilespmem:$0x5050] =	vst v1  }
0x6b: {  	v1 =	vld [tilespmem:s28+$0x2860];
	_ =	sdelay $0x4  }
0x6c: {  	[tilespmem:$0x5060] =	vst v1  }
0x6d: {  	v1 =	vld [tilespmem:s28+$0x2870];
	_ =	sdelay $0x3  }
.Ltmp1:
0x6e: {  	(pc) =	sbr.rel @p0 .LBB2_4-.Ltmp1, $4  }
0x6f: {  	[tilespmem:$0x5070] =	vst v1  }
0x70: {  	[spmem:s3] =	stream.indirect.scatter.add.f32 [tilespmem:s20], [sflag:$0x2], $0x80, s23, s21, $0xb8;
	[tilespmem:$0x1D080] =	vst v63  }
0x71: {  	_ =	swait.ge [sflag:s18], $0x4000  }
0x72: {  	s29 =	smov.u32 s26;
	[sflag:s18] =	ssyncset.done $0x0  }
0x73: {  	s25 =	sshra.s32 s25, $0x2;
	[sflag:s18] =	ssyncadd.s32 $0xFFFFC000  }
0x74: {  	[tilespmem:s20], [sflag:$0x1] =	stream.indirect.gather [hbm4b:s2+s21], $0x80, s25, s21, $0xb8;
	[tilespmem:$0x1D080] =	vst v63  }
0x75: {  	_ =	swait.ge [sflag:s22], $0x4000  }
0x76: {  	[sflag:s22] =	ssyncset.done $0x0  }
0x77: {  	[sflag:s22] =	ssyncadd.s32 $0xFFFFC000  }
0x78: {  	v1 =	vld [tilespmem:s25+$0x2800];
	_ =	sdelay $0x4  }
0x79: {  	[tilespmem:$0x5000] =	vst v1  }
0x7a: {  	v1 =	vld [tilespmem:s25+$0x2810];
	_ =	sdelay $0x4  }
0x7b: {  	[tilespmem:$0x5010] =	vst v1  }
0x7c: {  	v1 =	vld [tilespmem:s25+$0x2820];
	_ =	sdelay $0x4  }
0x7d: {  	[tilespmem:$0x5020] =	vst v1  }
0x7e: {  	v1 =	vld [tilespmem:s25+$0x2830];
	_ =	sdelay $0x4  }
0x7f: {  	[tilespmem:$0x5030] =	vst v1  }
0x80: {  	v1 =	vld [tilespmem:s25+$0x2840];
	_ =	sdelay $0x4  }
0x81: {  	[tilespmem:$0x5040] =	vst v1  }
0x82: {  	v1 =	vld [tilespmem:s25+$0x2850];
	_ =	sdelay $0x4  }
0x83: {  	[tilespmem:$0x5050] =	vst v1  }
0x84: {  	v1 =	vld [tilespmem:s25+$0x2860];
	_ =	sdelay $0x4  }
0x85: {  	[tilespmem:$0x5060] =	vst v1  }
0x86: {  	v1 =	vld [tilespmem:s25+$0x2870];
	_ =	sdelay $0x4  }
0x87: {  	[tilespmem:$0x5070] =	vst v1  }
0x88: {  	[spmem:s3] =	stream.indirect.scatter.add.f32 [tilespmem:s20], [sflag:$0x2], $0x80, s23, s21, $0xb8;
	[tilespmem:$0x1D080] =	vst v63  }
0x89: {  	_ =	swait.ge [sflag:s18], $0x4000  }
0x8a: {  	[sflag:s18] =	ssyncset.done $0x0  }
0x8b: {  	s26 =	sshll.u32 s1, $0x6;
	[sflag:s18] =	ssyncadd.s32 $0xFFFFC000  }
0x8c: {  	s25 =	sor.u32 $0x1C02, s26;
	s26 =	sshrl.u32 s7, $0x3;
	[bflag:$0x0] =	sbarrier.arrive $0xFFFF  }
0x8d: {  	[hbm:s12], [sflag:s25] =	dma.local [spmem:s26], $0x800  }
0x8e: {  	_ =	swait.ge [sflag:s18], $0x800  }
0x8f: {  	[sflag:s18] =	ssyncset.done $0x0  }
0x90: {  	s28 =	sshrl.u32 s8, $0x3;
	[sflag:s18] =	ssyncadd.s32 $0xFFFFF800  }
0x91: {  	[hbm:s13], [sflag:s25] =	dma.local [spmem:s28], $0x800  }
0x92: {  	_ =	swait.ge [sflag:s18], $0x800  }
0x93: {  	[sflag:s18] =	ssyncset.done $0x0  }
0x94: {  	s29 =	sshrl.u32 s9, $0x3;
	[sflag:s18] =	ssyncadd.s32 $0xFFFFF800  }
0x95: {  	[hbm:s14], [sflag:s25] =	dma.local [spmem:s29], $0x800  }
0x96: {  	_ =	swait.ge [sflag:s18], $0x800  }
0x97: {  	[sflag:s18] =	ssyncset.done $0x0  }
0x98: {  	s30 =	sshrl.u32 s10, $0x3;
	[sflag:s18] =	ssyncadd.s32 $0xFFFFF800  }
0x99: {  	[hbm:s15], [sflag:s25] =	dma.local [spmem:s30], $0x800  }
0x9a: {  	s24 =	sadd.s32 $0x1, s24;
	_ =	swait.ge [sflag:s18], $0x800  }
0x9b: {  	p0 =	sne.s32 s24, s17;
	[sflag:s18] =	ssyncset.done $0x0  }
.Ltmp2:
0x9c: {  	s31 =	sshrl.u32 s11, $0x3;
	[sflag:s18] =	ssyncadd.s32 $0xFFFFF800;
	(pc) =	sbr.rel @p0 .LBB2_1-.Ltmp2, $4  }
0x9d: {  	[hbm:s16], [sflag:s25] =	dma.local [spmem:s31], $0x800  }
0x9e: {  	_ =	swait.ge [sflag:s18], $0x800  }
0x9f: {  	[sflag:s18] =	ssyncset.done $0x0  }
0xa0: {  	[sflag:s18] =	ssyncadd.s32 $0xFFFFF800  }
0xa1: {  	_ =	sfence.sel $0x180000  }
0xa2: {  	[bflag:$0x0] =	sbarrier.arrive $0xFFFF  }
0xa3: {  	p0 =	sne.s32 s1, $0x0;
	_ =	strace $0x9000004A  }
0xa4: {  	s0 =	sadd.s32 @!p0 $0x100000, s0;
	[bflag:$0x2] =	sbarrier.arrive $0xFFFF  }
0xa5: {  	[sflag:s0] =	ssyncadd.tile.s32 @!p0 $0x1;
	_ =	shalt  }
.Lfunc_end2:
_tile_overlayer_lowered:
.L_overlay_start_2:
0xa6: {  	(tag) =	ssettag $0x2  }
0xa7: {  	s0 =	rddreg [dreg:$0x0];
	s2 =	stileid.u32  }
0xa8: {  	s1 =	rddreg [dreg:$0x1];
	p0 =	sne.s32 s2, $0x0  }
0xa9: {  	s3 =	rddreg [dreg:$0x2];
	[bflag:$0x3] =	sbarrier.arrive $0xFFFF;
	s2 =	simm.s32 @!p0 $0x1C02  }
0xaa: {  	[timem:s3], [sflag:s2] =	dma.local @!p0 [hbm:s0], s1  }
0xab: {  	s0 =	simm.s32 @!p0 $0x2  }
0xac: {  	_ =	swait.ge @!p0 [sflag:s0], s1  }
0xad: {  	s1 =	ssub.s32 @!p0 $0x0, s1;
	[sflag:s0] =	ssyncset.done @!p0 $0x0  }
0xae: {  	[sflag:s0] =	ssyncadd.s32 @!p0 s1  }
0xaf: {  	[bflag:$0x3] =	sbarrier.arrive $0xFFFF  }
0xb0: {  	_ =	shalt  }

// kernel: kernel.15.cloned.1.call-start
scs
__scs_entry_jumppad:
0x0: {  	(pc) =	sbr.rel $0x88, $3  }
0x1: {  	(tag) =	ssettag $0x0;
	lr =	simm.s32 $0x1  }
0x2: {  	[smem:$0x3F9B] =	sst lr;
	_ =	strace $0xD0000000  }
0x3: {  	_ = 	snop  }
0x4: {  	_ = 	snop  }
0x5: {  	_ = 	snop  }
0x6: {  	_ = 	snop  }
0x7: {  	_ = 	snop  }
__scs_overlays_trampoline_lowered:
0x8: {  	[smem:$0x3FAA] =	sst s0  }
0x9: {  	[smem:$0x3FAB] =	sst s1  }
0xa: {  	[smem:$0x3FAC] =	sst s2  }
0xb: {  	[smem:$0x3FAD] =	sst s3  }
0xc: {  	[smem:$0x3FAE] =	sst s4  }
0xd: {  	[smem:$0x3FAF] =	sst s5  }
0xe: {  	[smem:$0x3FB0] =	sst s6  }
0xf: {  	[smem:$0x3FB1] =	sst s7  }
0x10: {  	[smem:$0x3FB2] =	sst s8  }
0x11: {  	[smem:$0x3FB3] =	sst s9;
	s0 =	simm.s32 @!p0 $0x0  }
0x12: {  	s1 =	sld [smem:$0x3F99];
	s0 =	simm.s32 @p0 $0x1  }
0x13: {  	[smem:$0x3FB4] =	sst s0;
	s0 =	simm.s32 @!p1 $0x0  }
0x14: {  	s2 =	sld [smem:$0x3F98];
	s0 =	simm.s32 @p1 $0x1  }
0x15: {  	[smem:$0x3FB5] =	sst s0;
	s0 =	simm.s32 @!p2 $0x0  }
0x16: {  	s3 =	sld [smem:$0x3FDB];
	s0 =	simm.s32 @p2 $0x1  }
0x17: {  	s4 =	simm.s32 $0x1BF5;
	[smem:$0x3FB7] =	sst s0  }
0x18: {  	s0 =	sld [smem:$0x3F9A];
	_ =	swait.ge [sflag:s4], $0x0  }
0x19: {  	s7 =	sld [smem:$0x3F9B]  }
0x1a: {  	s8 =	sadd.s32 $0xFFFFE003, lr  }
0x1b: {  	s9 =	sadd.s32 $0xFFFFFEF7, lr;
	s5 =	simm.s32 $0xFFFFFFFF;
	p2 =	slt.u32 s8, $0xFFFFF086  }
0x1c: {  	p1 =	slt.u32 s9, $0xF7A;
	s5 =	simm.s32 @!p2 $0x0  }
0x1d: {  	s5 =	simm.s32 @p1 $0x1;
	p0 =	seq.s32 s7, s2  }
0x1e: {  	s7 =	smul.u32 @!p0 $0xF7A, s2;
	p2 =	seq.s32 @!p0 s5, $0x0  }
0x1f: {  	s9 =	smul.u32 $0xF7A, s1;
	s8 =	simm.s32 @!p0 $0x1BF5;
	p2 =	por !p2, p0  }
0x20: {  	[sflag:s8] =	ssyncset.s32 @!p0 $0xFFFFF086;
	s6 =	sadd.s32 @!p0 s3, s7;
	s7 =	simm.s32 @!p0 $0x108  }
0x21: {  	s3 =	sadd.s32 s3, s9;
	s6 =	sadd.s32 @!p0 $0x88, s6;
	s7 =	simm.s32 @p2 $0x1082  }
0x22: {  	[simem:s7], [sflag:s8] =	dma.local @!p0 [hbm:s6], $0xF7A  }
0x23: {  	s9 =	sor.u32 $0xD0000000, s2;
	s6 =	simm.s32 $0x108;
	_ =	swait.ge @!p0 [sflag:s8], $0x0  }
0x24: {  	s3 =	sadd.s32 $0x88, s3;
	s6 =	simm.s32 @!p1 $0x1082;
	[sflag:s4] =	ssyncset.s32 $0xFFFFF086  }
0x25: {  	[simem:s6], [sflag:s4] =	dma.local [hbm:s3], $0xF7A  }
0x26: {  	[smem:$0x3F9B] =	sst s1;
	(tag) =	ssettag s2;
	_ =	strace s9  }
0x27: {  	s1 =	sld [smem:$0x3FAB]  }
0x28: {  	s2 =	sld [smem:$0x3FAC]  }
0x29: {  	s4 =	sld [smem:$0x3FAE]  }
0x2a: {  	p0 =	seq.s32 s5, $0x0;
	s5 =	sld [smem:$0x3FAF]  }
0x2b: {  	s6 =	sld [smem:$0x3FB0]  }
0x2c: {  	s7 =	sld [smem:$0x3FB1]  }
0x2d: {  	s3 =	simm.s32 $0x108;
	s8 =	sld [smem:$0x3FB2]  }
0x2e: {  	s3 =	simm.s32 @!p0 $0x1082;
	s9 =	sld [smem:$0x3FB3]  }
0x2f: {  	lr =	sadd.s32 s0, s3;
	s0 =	sld [smem:$0x3FAA]  }
0x30: {  	s3 =	sld [smem:$0x3FAD]  }
0x31: {  	[smem:$0x3FB6] =	sst s10  }
0x32: {  	s10 =	sld [smem:$0x3FB4];
	_ =	sdelay $0x3  }
0x33: {  	p0 =	seq.s32 s10, $0x1;
	s10 =	sld [smem:$0x3FB6];
	_ =	sdelay $0x3  }
0x34: {  	[smem:$0x3FB6] =	sst s10  }
0x35: {  	s10 =	sld [smem:$0x3FB5];
	_ =	sdelay $0x3  }
0x36: {  	p1 =	seq.s32 s10, $0x1;
	s10 =	sld [smem:$0x3FB6];
	_ =	sdelay $0x3  }
0x37: {  	[smem:$0x3FB6] =	sst s10  }
0x38: {  	s10 =	sld [smem:$0x3FB7]  }
0x39: {  	_ = 	snop;
	(pc) =	sbr.ind lr, $3  }
0x3a: {  	_ = 	snop  }
0x3b: {  	_ = 	snop  }
0x3c: {  	p2 =	seq.s32 s10, $0x1;
	s10 =	sld [smem:$0x3FB6]  }
0x3d: {  	_ =	shalt  }
0x3e: {  	_ =	shalt  }
0x3f: {  	_ =	shalt  }
0x40: {  	_ =	shalt  }
0x41: {  	_ =	shalt  }
0x42: {  	_ =	shalt  }
0x43: {  	_ =	shalt  }
0x44: {  	_ =	shalt  }
0x45: {  	_ =	shalt  }
0x46: {  	_ =	shalt  }
0x47: {  	_ =	shalt  }
0x48: {  	_ =	shalt  }
0x49: {  	_ =	shalt  }
0x4a: {  	_ =	shalt  }
0x4b: {  	_ =	shalt  }
0x4c: {  	_ =	shalt  }
0x4d: {  	_ =	shalt  }
0x4e: {  	_ =	shalt  }
0x4f: {  	_ =	shalt  }
0x50: {  	_ =	shalt  }
0x51: {  	_ =	shalt  }
0x52: {  	_ =	shalt  }
0x53: {  	_ =	shalt  }
0x54: {  	_ =	shalt  }
0x55: {  	_ =	shalt  }
0x56: {  	_ =	shalt  }
0x57: {  	_ =	shalt  }
0x58: {  	_ =	shalt  }
0x59: {  	_ =	shalt  }
0x5a: {  	_ =	shalt  }
0x5b: {  	_ =	shalt  }
0x5c: {  	_ =	shalt  }
0x5d: {  	_ =	shalt  }
0x5e: {  	_ =	shalt  }
0x5f: {  	_ =	shalt  }
0x60: {  	_ =	shalt  }
0x61: {  	_ =	shalt  }
0x62: {  	_ =	shalt  }
0x63: {  	_ =	shalt  }
0x64: {  	_ =	shalt  }
0x65: {  	_ =	shalt  }
0x66: {  	_ =	shalt  }
0x67: {  	_ =	shalt  }
0x68: {  	_ =	shalt  }
0x69: {  	_ =	shalt  }
0x6a: {  	_ =	shalt  }
0x6b: {  	_ =	shalt  }
0x6c: {  	_ =	shalt  }
0x6d: {  	_ =	shalt  }
0x6e: {  	_ =	shalt  }
0x6f: {  	_ =	shalt  }
0x70: {  	_ =	shalt  }
0x71: {  	_ =	shalt  }
0x72: {  	_ =	shalt  }
0x73: {  	_ =	shalt  }
0x74: {  	_ =	shalt  }
0x75: {  	_ =	shalt  }
0x76: {  	_ =	shalt  }
0x77: {  	_ =	shalt  }
0x78: {  	_ =	shalt  }
0x79: {  	_ =	shalt  }
0x7a: {  	_ =	shalt  }
0x7b: {  	_ =	shalt  }
0x7c: {  	_ =	shalt  }
0x7d: {  	_ =	shalt  }
0x7e: {  	_ =	shalt  }
0x7f: {  	_ =	shalt  }
0x80: {  	_ =	shalt  }
0x81: {  	_ =	shalt  }
0x82: {  	_ =	shalt  }
0x83: {  	_ =	shalt  }
0x84: {  	_ =	shalt  }
0x85: {  	_ =	shalt  }
0x86: {  	_ =	shalt  }
0x87: {  	_ =	shalt  }
.Lfunc_end0:
.L_simem_size_0:
called_computation.2_lowered:
.L_overlay_start_0:
0x88: {  	s2 =	sld [smem:$0x3FD9]  }
0x89: {  	s3 =	sld [smem:$0x3FFE];
	_ =	sdelay $0x1  }
0x8a: {  	s1 =	srdreg.scid  }
0x8b: {  	s0 =	sand.u32 $0x1, s1  }
0x8c: {  	s17 =	sshll.u32 s0, $0xA;
	s2 =	sadd.s32 s3, s2  }
0x8d: {  	s2 =	sadd.s32 s2, s17  }
0x8e: {  	[smem:$0x3FC2] =	sst s2  }
0x8f: {  	_ = 	snop  }
0x90: {  	s2 =	sld [smem:$0x3FD0];
	(tm) =	ssettm $0x1  }
0x91: {  	s18 =	sld [smem:$0x3FFB];
	_ =	sdelay $0x3  }
0x92: {  	_ =	strace s18  }
0x93: {  	s3 =	sld [smem:$0x3FFC];
	_ =	sdelay $0x3  }
0x94: {  	_ =	strace s3  }
0x95: {  	s3 =	sld [smem:$0x3FFD];
	_ =	sdelay $0x3  }
0x96: {  	_ =	strace s3  }
0x97: {  	_ =	strace $0x8FFFFFFF  }
0x98: {  	s19 =	sld [smem:$0x3FDB];
	_ =	sdelay $0x1  }
0x99: {  	s4 =	simm.s32 $_scs_section_size  }
0x9a: {  	s5 =	simm.s32 $_size__tile_overlayer_lowered;
	s6 =	simm.s32 $_tile_overlayer_lowered  }
0x9b: {  	s22 =	simm.s32 $0x1BFF;
	s21 =	sshll.u32 s6, $0x1;
	s3 =	sadd.s32 s4, s19  }
0x9c: {  	s7 =	simm.s32 $0x0;
	s20 =	sshll.u32 s5, $0x1;
	s5 =	sadd.s32 s21, s3  }
0x9d: {  	[timem:s7], [sflag:s22] =	dma.local [hbm:s5], s20  }
0x9e: {  	_ =	swait.ge [sflag:s22], s20  }
0x9f: {  	s4 =	ssub.s32 $0x0, s20;
	[sflag:s22] =	ssyncset.done $0x0  }
0xa0: {  	[sflag:s22] =	ssyncadd.s32 s4;
	_ =	sdelay $0x1  }
0xa1: {  	s23 =	simm.s32 $0x1B8B  }
0xa2: {  	_ =	swait.ge [sflag:s23], $0x1  }
0xa3: {  	[sflag:s23] =	ssyncset.done $0x0  }
0xa4: {  	s25 =	simm.s32 $0x1B8E;
	s24 =	sld [smem:$0x3FFE];
	[sflag:s23] =	ssyncadd.s32 $0xFFFFFFFF  }
0xa5: {  	s26 =	simm.s32 $execute0_lowered;
	[smem:$0x3FD2] =	sst s25  }
0xa6: {  	s5 =	sshll.u32 s26, $0x1;
	_ =	strace $0x8000004C;
	[dreg:$0x1] =	wrdreg $0xFFFFFFFF  }
0xa7: {  	s28 =	simm.s32 $_size_execute0_lowered;
	s3 =	sadd.s32 s3, s5;
	[dreg:$0x0] =	wrdreg $0x0  }
0xa8: {  	s5 =	sshll.u32 s28, $0x1;
	[dreg:$0x2] =	wrdreg s3  }
0xa9: {  	[dreg:$0x3] =	wrdreg s5  }
0xaa: {  	[dreg:$0x4] =	wrdreg $0xC0  }
0xab: {  	_ =	task [dreg:s7], $0x5FFFF  }
0xac: {  	[dreg:$0x1] =	wrdreg $0xFFFFFFFF  }
0xad: {  	[dreg:$0x0] =	wrdreg $0x60  }
0xae: {  	[dreg:$0x2] =	wrdreg s24  }
0xaf: {  	[dreg:$0x3] =	wrdreg s2  }
0xb0: {  	[dreg:$0x4] =	wrdreg $0x90800  }
0xb1: {  	[dreg:$0x5] =	wrdreg $0x9  }
0xb2: {  	_ =	task.clear_ibuf [dreg:s7], $0x6FFFF;
	_ =	strace $0x9000004C  }
0xb3: {  	s29 =	simm.s32 $0x9;
	_ =	strace $0x8000004E  }
0xb4: {  	_ =	swait.ge [sflag:s29], $0x1  }
0xb5: {  	[sflag:s29] =	ssyncadd.s32 $0xFFFFFFFF  }
0xb6: {  	_ =	strace $0x9000004E  }
0xb7: {  	_ =	sfence  }
0xb8: {  	s30 =	sld [smem:$0x0];
	_ =	sdelay $0x2  }
0xb9: {  	s31 =	sshll.u32 s1, $0xD;
	s1 =	sshrl.u32 s1, $0x2  }
0xba: {  	s3 =	sand.u32 $0x4000, s31;
	s1 =	sadd.s32 s1, s30  }
0xbb: {  	s0 =	sor.u32 s3, s0;
	s1 =	sshll.u32 s1, $0x11  }
0xbc: {  	s0 =	sor.u32 s1, s0  }
0xbd: {  	s0 =	sadd.s32 $0x8F2B, s0  }
0xbe: {  	[sflag:s0] =	ssyncadd.remote.s32 $0x1  }
0xbf: {  	_ =	sfence.sel $0xFFFF  }
0xc0: {  	[dreg:$0x0] =	wrdreg $0xFFFFFFFF;
	(pc) =	sbr.abs _section_cstart, $3  }
0xc1: {  	[dreg:$0x1] =	wrdreg $0xFFFFFFFF  }
0xc2: {  	_ =	task.clear_ibuf [dreg:s7], $0x2FFFF;
	_ =	strace $0x9FFFFFFF  }
0xc3: {  	(tm) =	ssettm $0x7FFFFFFF  }
tec
execute0_lowered:
.L_overlay_start_1:
0x0: {  	(tag) =	ssettag $0x1  }
0x1: {  	s5 =	rddreg [dreg:$0x0]  }
0x2: {  	s0 =	srdreg.scid;
	s2 =	rddreg [dreg:$0x1]  }
0x3: {  	s3 =	rddreg [dreg:$0x2];
	s1 =	stileid.u32  }
0x4: {  	s4 =	simm.s32 $0x0;
	s21 =	simm.s32 $0x80;
	s22 =	simm.s32 $0x1  }
0x5: {  	s23 =	simm.s32 $0x5000;
	s8 =	sand.u32 $0x1, s0;
	s0 =	rddreg [dreg:$0x3]  }
0x6: {  	s24 =	simm.s32 $0x0;
	[smem:$0x7FF] =	sst s4;
	s10 =	smul.u32 $0x50000, s1  }
0x7: {  	s16 =	sadd.s32 $0x3E400, s5;
	s11 =	smul.u32 $0x14000, s1;
	s6 =	sshll.u32 s8, $0x4  }
0x8: {  	_ =	strace $0x8000004D;
	s7 =	ssub.s32 $0x2, s8;
	s14 =	smul.u32 $0x140000, s8  }
0x9: {  	s6 =	sor.u32 s1, s6;
	s9 =	sshrl.u32 s7, $0x1;
	s29 =	sshrl.u32 s10, $0x2  }
0xa: {  	s12 =	sadd.s32 $0x4000, s11;
	s15 =	sadd.s32 $0x8000, s11;
	s18 =	sadd.s32 $0xC000, s11  }
0xb: {  	s19 =	sadd.s32 $0x10000, s11;
	s6 =	smul.u32 $0x500, s6;
	s17 =	ssub.s32 s7, s9  }
0xc: {  	s7 =	sadd.s32 s29, s3;
	s8 =	sadd.s32 s12, s3;
	s9 =	sadd.s32 s15, s3  }
0xd: {  	s10 =	sadd.s32 s18, s3;
	s13 =	sadd.s32 s11, s14;
	s20 =	sadd.s32 s14, s12  }
0xe: {  	s11 =	sadd.s32 s19, s3;
	s15 =	sadd.s32 s14, s15;
	s18 =	sadd.s32 s14, s18  }
0xf: {  	s19 =	sadd.s32 s14, s19;
	s13 =	sshrl.u32 s13, $0x3;
	s30 =	sshrl.u32 s20, $0x3  }
0x10: {  	s15 =	sshrl.u32 s15, $0x3;
	s18 =	sshrl.u32 s18, $0x3;
	s31 =	sshrl.u32 s19, $0x3  }
0x11: {  	s17 =	smax.u32 s17, $0x1;
	s19 =	simm.s32 $0x2800;
	s20 =	simm.s32 $0x5080  }
0x12: {  	s6 =	sadd.s32 s6, s5;
	s12 =	sadd.s32 s16, s13;
	s13 =	sadd.s32 s16, s30  }
0x13: {  	s14 =	sadd.s32 s16, s15;
	s15 =	sadd.s32 s16, s18;
	s16 =	sadd.s32 s16, s31  }
0x14: {  	v0 =	vimm.f32 $0.0e+00;
	s18 =	simm.s32 $0x2;
	s5 =	sadd.s32 $0xD200, s6;
	s6 =	sadd.s32 $0x3200, s6  }
.LBB2_1:
0x15: {  	[tilespmem:s4], [sflag:$0x2] =	stream.linear.gather [hbm4b:s5+s4], $0x2800, $0x38;
	[tilespmem:$0x1D080] =	vst v63  }
0x16: {  	_ =	swait.ge [sflag:s18], $0x2800  }
0x17: {  	[sflag:s18] =	ssyncset.done $0x0  }
0x18: {  	[sflag:s18] =	ssyncadd.s32 $0xFFFFD800  }
0x19: {  	[tilespmem:s19], [sflag:$0x2] =	stream.linear.gather [hbm4b:s6+s4], $0x2800, $0x38;
	[tilespmem:$0x1D080] =	vst v63  }
0x1a: {  	_ =	swait.ge [sflag:s18], $0x2800  }
0x1b: {  	[sflag:s18] =	ssyncset.done $0x0  }
0x1c: {  	s25 =	simm.s32 $0x0;
	s26 =	simm.s32 $0x200;
	[sflag:s18] =	ssyncadd.s32 $0xFFFFD800  }
.LBB2_2:
0x1d: {  	p0 =	sne.s32 s26, $0xFE00;
	[tilespmem:s25+$0x50F0] =	vst v0  }
0x1e: {  	[tilespmem:s25+$0x5080] =	vst v0  }
0x1f: {  	[tilespmem:s25+$0x5090] =	vst v0  }
.Ltmp0:
0x20: {  	[tilespmem:s25+$0x50A0] =	vst v0;
	(pc) =	sbr.rel @p0 .LBB2_2-.Ltmp0, $4  }
0x21: {  	[tilespmem:s25+$0x50B0] =	vst v0  }
0x22: {  	[tilespmem:s25+$0x50C0] =	vst v0  }
0x23: {  	[tilespmem:s25+$0x50D0] =	vst v0  }
0x24: {  	[tilespmem:s25+$0x50E0] =	vst v0;
	s25 =	sshra.s32 s26, $0x2;
	s26 =	sadd.s32 $0x200, s26  }
0x25: {  	[tilespmem:s25+$0x50F0] =	vst v0  }
0x26: {  	[tilespmem:s25+$0x5080] =	vst v0  }
0x27: {  	[tilespmem:s25+$0x5090] =	vst v0  }
0x28: {  	[tilespmem:s25+$0x50A0] =	vst v0  }
0x29: {  	[tilespmem:s25+$0x50B0] =	vst v0  }
0x2a: {  	[tilespmem:s25+$0x50C0] =	vst v0  }
0x2b: {  	[tilespmem:s25+$0x50D0] =	vst v0  }
0x2c: {  	[tilespmem:s25+$0x50E0] =	vst v0  }
0x2d: {  	[spmem:s7] =	stream.linear.scatter [tilespmem:s20], [sflag:$0x2], $0x4000, $0x38;
	[tilespmem:$0x1D080] =	vst v63  }
0x2e: {  	_ =	swait.ge [sflag:s18], $0x4000  }
0x2f: {  	[sflag:s18] =	ssyncset.done $0x0  }
0x30: {  	[sflag:s18] =	ssyncadd.s32 $0xFFFFC000  }
0x31: {  	[spmem:s8] =	stream.linear.scatter [tilespmem:s20], [sflag:$0x2], $0x4000, $0x38;
	[tilespmem:$0x1D080] =	vst v63  }
0x32: {  	_ =	swait.ge [sflag:s18], $0x4000  }
0x33: {  	[sflag:s18] =	ssyncset.done $0x0  }
0x34: {  	[sflag:s18] =	ssyncadd.s32 $0xFFFFC000  }
0x35: {  	[spmem:s9] =	stream.linear.scatter [tilespmem:s20], [sflag:$0x2], $0x4000, $0x38;
	[tilespmem:$0x1D080] =	vst v63  }
0x36: {  	_ =	swait.ge [sflag:s18], $0x4000  }
0x37: {  	[sflag:s18] =	ssyncset.done $0x0  }
0x38: {  	[sflag:s18] =	ssyncadd.s32 $0xFFFFC000  }
0x39: {  	[spmem:s10] =	stream.linear.scatter [tilespmem:s20], [sflag:$0x2], $0x4000, $0x38;
	[tilespmem:$0x1D080] =	vst v63  }
0x3a: {  	_ =	swait.ge [sflag:s18], $0x4000  }
0x3b: {  	[sflag:s18] =	ssyncset.done $0x0  }
0x3c: {  	[sflag:s18] =	ssyncadd.s32 $0xFFFFC000  }
0x3d: {  	[spmem:s11] =	stream.linear.scatter [tilespmem:s20], [sflag:$0x2], $0x4000, $0x38;
	[tilespmem:$0x1D080] =	vst v63  }
0x3e: {  	_ =	swait.ge [sflag:s18], $0x4000  }
0x3f: {  	[sflag:s18] =	ssyncset.done $0x0  }
0x40: {  	[sflag:s18] =	ssyncadd.s32 $0xFFFFC000  }
0x41: {  	s31 =	simm.s32 $0x0;
	[bflag:$0x0] =	sbarrier.arrive $0xFFFF  }
0x42: {  	[tilespmem:s20], [sflag:$0x1] =	stream.indirect.gather [hbm4b:s2+s21], $0x80, s31, s21, $0xb8;
	[tilespmem:$0x1D080] =	vst v63  }
0x43: {  	_ =	swait.ge [sflag:s22], $0x4000  }
0x44: {  	[sflag:s22] =	ssyncset.done $0x0  }
0x45: {  	[sflag:s22] =	ssyncadd.s32 $0xFFFFC000  }
0x46: {  	v1 =	vld [tilespmem:s31+$0x2800];
	_ =	sdelay $0x4  }
0x47: {  	[tilespmem:$0x5000] =	vst v1  }
0x48: {  	v1 =	vld [tilespmem:s31+$0x2810];
	_ =	sdelay $0x4  }
0x49: {  	[tilespmem:$0x5010] =	vst v1  }
0x4a: {  	v1 =	vld [tilespmem:s31+$0x2820];
	_ =	sdelay $0x4  }
0x4b: {  	[tilespmem:$0x5020] =	vst v1  }
0x4c: {  	v1 =	vld [tilespmem:s31+$0x2830];
	_ =	sdelay $0x4  }
0x4d: {  	[tilespmem:$0x5030] =	vst v1  }
0x4e: {  	v1 =	vld [tilespmem:s31+$0x2840];
	_ =	sdelay $0x4  }
0x4f: {  	[tilespmem:$0x5040] =	vst v1  }
0x50: {  	v1 =	vld [tilespmem:s31+$0x2850];
	_ =	sdelay $0x4  }
0x51: {  	[tilespmem:$0x5050] =	vst v1  }
0x52: {  	v1 =	vld [tilespmem:s31+$0x2860];
	_ =	sdelay $0x4  }
0x53: {  	[tilespmem:$0x5060] =	vst v1  }
0x54: {  	v1 =	vld [tilespmem:s31+$0x2870];
	_ =	sdelay $0x4  }
0x55: {  	[tilespmem:$0x5070] =	vst v1  }
0x56: {  	[spmem:s3] =	stream.indirect.scatter.add.f32 [tilespmem:s20], [sflag:$0x2], $0x80, s23, s21, $0xb8;
	[tilespmem:$0x1D080] =	vst v63  }
0x57: {  	_ =	swait.ge [sflag:s18], $0x4000  }
0x58: {  	s25 =	simm.s32 $0x200;
	s29 =	simm.s32 $0x400;
	[sflag:s18] =	ssyncset.done $0x0  }
.LBB2_4:
0x59: {  	s28 =	sshra.s32 s25, $0x2  }
0x5a: {  	[sflag:s18] =	ssyncadd.s32 $0xFFFFC000;
	s25 =	smov.u32 s29;
	s26 =	sadd.s32 $0x200, s29  }
0x5b: {  	[tilespmem:s20], [sflag:$0x1] =	stream.indirect.gather [hbm4b:s2+s21], $0x80, s28, s21, $0xb8;
	[tilespmem:$0x1D080] =	vst v63  }
0x5c: {  	p0 =	sne.s32 s29, $0x9E00;
	_ =	swait.ge [sflag:s22], $0x4000  }
0x5d: {  	[sflag:s22] =	ssyncset.done $0x0  }
0x5e: {  	[sflag:s22] =	ssyncadd.s32 $0xFFFFC000  }
0x5f: {  	v1 =	vld [tilespmem:s28+$0x2800];
	_ =	sdelay $0x4  }
0x60: {  	[tilespmem:$0x5000] =	vst v1  }
0x61: {  	v1 =	vld [tilespmem:s28+$0x2810];
	_ =	sdelay $0x4  }
0x62: {  	[tilespmem:$0x5010] =	vst v1  }
0x63: {  	v1 =	vld [tilespmem:s28+$0x2820];
	_ =	sdelay $0x4  }
0x64: {  	[tilespmem:$0x5020] =	vst v1  }
0x65: {  	v1 =	vld [tilespmem:s28+$0x2830];
	_ =	sdelay $0x4  }
0x66: {  	[tilespmem:$0x5030] =	vst v1  }
0x67: {  	v1 =	vld [tilespmem:s28+$0x2840];
	_ =	sdelay $0x4  }
0x68: {  	[tilespmem:$0x5040] =	vst v1  }
0x69: {  	v1 =	vld [tilespmem:s28+$0x2850];
	_ =	sdelay $0x4  }
0x6a: {  	[tilespmem:$0x5050] =	vst v1  }
0x6b: {  	v1 =	vld [tilespmem:s28+$0x2860];
	_ =	sdelay $0x4  }
0x6c: {  	[tilespmem:$0x5060] =	vst v1  }
0x6d: {  	v1 =	vld [tilespmem:s28+$0x2870];
	_ =	sdelay $0x3  }
.Ltmp1:
0x6e: {  	(pc) =	sbr.rel @p0 .LBB2_4-.Ltmp1, $4  }
0x6f: {  	[tilespmem:$0x5070] =	vst v1  }
0x70: {  	[spmem:s3] =	stream.indirect.scatter.add.f32 [tilespmem:s20], [sflag:$0x2], $0x80, s23, s21, $0xb8;
	[tilespmem:$0x1D080] =	vst v63  }
0x71: {  	_ =	swait.ge [sflag:s18], $0x4000  }
0x72: {  	s29 =	smov.u32 s26;
	[sflag:s18] =	ssyncset.done $0x0  }
0x73: {  	s25 =	sshra.s32 s25, $0x2;
	[sflag:s18] =	ssyncadd.s32 $0xFFFFC000  }
0x74: {  	[tilespmem:s20], [sflag:$0x1] =	stream.indirect.gather [hbm4b:s2+s21], $0x80, s25, s21, $0xb8;
	[tilespmem:$0x1D080] =	vst v63  }
0x75: {  	_ =	swait.ge [sflag:s22], $0x4000  }
0x76: {  	[sflag:s22] =	ssyncset.done $0x0  }
0x77: {  	[sflag:s22] =	ssyncadd.s32 $0xFFFFC000  }
0x78: {  	v1 =	vld [tilespmem:s25+$0x2800];
	_ =	sdelay $0x4  }
0x79: {  	[tilespmem:$0x5000] =	vst v1  }
0x7a: {  	v1 =	vld [tilespmem:s25+$0x2810];
	_ =	sdelay $0x4  }
0x7b: {  	[tilespmem:$0x5010] =	vst v1  }
0x7c: {  	v1 =	vld [tilespmem:s25+$0x2820];
	_ =	sdelay $0x4  }
0x7d: {  	[tilespmem:$0x5020] =	vst v1  }
0x7e: {  	v1 =	vld [tilespmem:s25+$0x2830];
	_ =	sdelay $0x4  }
0x7f: {  	[tilespmem:$0x5030] =	vst v1  }
0x80: {  	v1 =	vld [tilespmem:s25+$0x2840];
	_ =	sdelay $0x4  }
0x81: {  	[tilespmem:$0x5040] =	vst v1  }
0x82: {  	v1 =	vld [tilespmem:s25+$0x2850];
	_ =	sdelay $0x4  }
0x83: {  	[tilespmem:$0x5050] =	vst v1  }
0x84: {  	v1 =	vld [tilespmem:s25+$0x2860];
	_ =	sdelay $0x4  }
0x85: {  	[tilespmem:$0x5060] =	vst v1  }
0x86: {  	v1 =	vld [tilespmem:s25+$0x2870];
	_ =	sdelay $0x4  }
0x87: {  	[tilespmem:$0x5070] =	vst v1  }
0x88: {  	[spmem:s3] =	stream.indirect.scatter.add.f32 [tilespmem:s20], [sflag:$0x2], $0x80, s23, s21, $0xb8;
	[tilespmem:$0x1D080] =	vst v63  }
0x89: {  	_ =	swait.ge [sflag:s18], $0x4000  }
0x8a: {  	[sflag:s18] =	ssyncset.done $0x0  }
0x8b: {  	s26 =	sshll.u32 s1, $0x6;
	[sflag:s18] =	ssyncadd.s32 $0xFFFFC000  }
0x8c: {  	s25 =	sor.u32 $0x1C02, s26;
	s26 =	sshrl.u32 s7, $0x3;
	[bflag:$0x0] =	sbarrier.arrive $0xFFFF  }
0x8d: {  	[hbm:s12], [sflag:s25] =	dma.local [spmem:s26], $0x800  }
0x8e: {  	_ =	swait.ge [sflag:s18], $0x800  }
0x8f: {  	[sflag:s18] =	ssyncset.done $0x0  }
0x90: {  	s28 =	sshrl.u32 s8, $0x3;
	[sflag:s18] =	ssyncadd.s32 $0xFFFFF800  }
0x91: {  	[hbm:s13], [sflag:s25] =	dma.local [spmem:s28], $0x800  }
0x92: {  	_ =	swait.ge [sflag:s18], $0x800  }
0x93: {  	[sflag:s18] =	ssyncset.done $0x0  }
0x94: {  	s29 =	sshrl.u32 s9, $0x3;
	[sflag:s18] =	ssyncadd.s32 $0xFFFFF800  }
0x95: {  	[hbm:s14], [sflag:s25] =	dma.local [spmem:s29], $0x800  }
0x96: {  	_ =	swait.ge [sflag:s18], $0x800  }
0x97: {  	[sflag:s18] =	ssyncset.done $0x0  }
0x98: {  	s30 =	sshrl.u32 s10, $0x3;
	[sflag:s18] =	ssyncadd.s32 $0xFFFFF800  }
0x99: {  	[hbm:s15], [sflag:s25] =	dma.local [spmem:s30], $0x800  }
0x9a: {  	s24 =	sadd.s32 $0x1, s24;
	_ =	swait.ge [sflag:s18], $0x800  }
0x9b: {  	p0 =	sne.s32 s24, s17;
	[sflag:s18] =	ssyncset.done $0x0  }
.Ltmp2:
0x9c: {  	s31 =	sshrl.u32 s11, $0x3;
	[sflag:s18] =	ssyncadd.s32 $0xFFFFF800;
	(pc) =	sbr.rel @p0 .LBB2_1-.Ltmp2, $4  }
0x9d: {  	[hbm:s16], [sflag:s25] =	dma.local [spmem:s31], $0x800  }
0x9e: {  	_ =	swait.ge [sflag:s18], $0x800  }
0x9f: {  	[sflag:s18] =	ssyncset.done $0x0  }
0xa0: {  	[sflag:s18] =	ssyncadd.s32 $0xFFFFF800  }
0xa1: {  	_ =	sfence.sel $0x180000  }
0xa2: {  	[bflag:$0x0] =	sbarrier.arrive $0xFFFF  }
0xa3: {  	p0 =	sne.s32 s1, $0x0;
	_ =	strace $0x9000004D  }
0xa4: {  	s0 =	sadd.s32 @!p0 $0x100000, s0;
	[bflag:$0x2] =	sbarrier.arrive $0xFFFF  }
0xa5: {  	[sflag:s0] =	ssyncadd.tile.s32 @!p0 $0x1;
	_ =	shalt  }
.Lfunc_end2:
_tile_overlayer_lowered:
.L_overlay_start_2:
0xa6: {  	(tag) =	ssettag $0x2  }
0xa7: {  	s0 =	rddreg [dreg:$0x0];
	s2 =	stileid.u32  }
0xa8: {  	s1 =	rddreg [dreg:$0x1];
	p0 =	sne.s32 s2, $0x0  }
0xa9: {  	s3 =	rddreg [dreg:$0x2];
	[bflag:$0x3] =	sbarrier.arrive $0xFFFF;
	s2 =	simm.s32 @!p0 $0x1C02  }
0xaa: {  	[timem:s3], [sflag:s2] =	dma.local @!p0 [hbm:s0], s1  }
0xab: {  	s0 =	simm.s32 @!p0 $0x2  }
0xac: {  	_ =	swait.ge @!p0 [sflag:s0], s1  }
0xad: {  	s1 =	ssub.s32 @!p0 $0x0, s1;
	[sflag:s0] =	ssyncset.done @!p0 $0x0  }
0xae: {  	[sflag:s0] =	ssyncadd.s32 @!p0 s1  }
0xaf: {  	[bflag:$0x3] =	sbarrier.arrive $0xFFFF  }
0xb0: {  	_ =	shalt  }

// kernel: kernel.9.cloned.1.call-start
scs
__scs_entry_jumppad:
0x0: {  	(pc) =	sbr.rel $0x88, $3  }
0x1: {  	(tag) =	ssettag $0x0;
	lr =	simm.s32 $0x1  }
0x2: {  	[smem:$0x3F9B] =	sst lr;
	_ =	strace $0xD0000000  }
0x3: {  	_ = 	snop  }
0x4: {  	_ = 	snop  }
0x5: {  	_ = 	snop  }
0x6: {  	_ = 	snop  }
0x7: {  	_ = 	snop  }
__scs_overlays_trampoline_lowered:
0x8: {  	[smem:$0x3FAA] =	sst s0  }
0x9: {  	[smem:$0x3FAB] =	sst s1  }
0xa: {  	[smem:$0x3FAC] =	sst s2  }
0xb: {  	[smem:$0x3FAD] =	sst s3  }
0xc: {  	[smem:$0x3FAE] =	sst s4  }
0xd: {  	[smem:$0x3FAF] =	sst s5  }
0xe: {  	[smem:$0x3FB0] =	sst s6  }
0xf: {  	[smem:$0x3FB1] =	sst s7  }
0x10: {  	[smem:$0x3FB2] =	sst s8  }
0x11: {  	[smem:$0x3FB3] =	sst s9;
	s0 =	simm.s32 @!p0 $0x0  }
0x12: {  	s1 =	sld [smem:$0x3F99];
	s0 =	simm.s32 @p0 $0x1  }
0x13: {  	[smem:$0x3FB4] =	sst s0;
	s0 =	simm.s32 @!p1 $0x0  }
0x14: {  	s2 =	sld [smem:$0x3F98];
	s0 =	simm.s32 @p1 $0x1  }
0x15: {  	[smem:$0x3FB5] =	sst s0;
	s0 =	simm.s32 @!p2 $0x0  }
0x16: {  	s3 =	sld [smem:$0x3FDB];
	s0 =	simm.s32 @p2 $0x1  }
0x17: {  	s4 =	simm.s32 $0x1BF5;
	[smem:$0x3FB7] =	sst s0  }
0x18: {  	s0 =	sld [smem:$0x3F9A];
	_ =	swait.ge [sflag:s4], $0x0  }
0x19: {  	s7 =	sld [smem:$0x3F9B]  }
0x1a: {  	s8 =	sadd.s32 $0xFFFFE003, lr  }
0x1b: {  	s9 =	sadd.s32 $0xFFFFFEF7, lr;
	s5 =	simm.s32 $0xFFFFFFFF;
	p2 =	slt.u32 s8, $0xFFFFF086  }
0x1c: {  	p1 =	slt.u32 s9, $0xF7A;
	s5 =	simm.s32 @!p2 $0x0  }
0x1d: {  	s5 =	simm.s32 @p1 $0x1;
	p0 =	seq.s32 s7, s2  }
0x1e: {  	s7 =	smul.u32 @!p0 $0xF7A, s2;
	p2 =	seq.s32 @!p0 s5, $0x0  }
0x1f: {  	s9 =	smul.u32 $0xF7A, s1;
	s8 =	simm.s32 @!p0 $0x1BF5;
	p2 =	por !p2, p0  }
0x20: {  	[sflag:s8] =	ssyncset.s32 @!p0 $0xFFFFF086;
	s6 =	sadd.s32 @!p0 s3, s7;
	s7 =	simm.s32 @!p0 $0x108  }
0x21: {  	s3 =	sadd.s32 s3, s9;
	s6 =	sadd.s32 @!p0 $0x88, s6;
	s7 =	simm.s32 @p2 $0x1082  }
0x22: {  	[simem:s7], [sflag:s8] =	dma.local @!p0 [hbm:s6], $0xF7A  }
0x23: {  	s9 =	sor.u32 $0xD0000000, s2;
	s6 =	simm.s32 $0x108;
	_ =	swait.ge @!p0 [sflag:s8], $0x0  }
0x24: {  	s3 =	sadd.s32 $0x88, s3;
	s6 =	simm.s32 @!p1 $0x1082;
	[sflag:s4] =	ssyncset.s32 $0xFFFFF086  }
0x25: {  	[simem:s6], [sflag:s4] =	dma.local [hbm:s3], $0xF7A  }
0x26: {  	[smem:$0x3F9B] =	sst s1;
	(tag) =	ssettag s2;
	_ =	strace s9  }
0x27: {  	s1 =	sld [smem:$0x3FAB]  }
0x28: {  	s2 =	sld [smem:$0x3FAC]  }
0x29: {  	s4 =	sld [smem:$0x3FAE]  }
0x2a: {  	p0 =	seq.s32 s5, $0x0;
	s5 =	sld [smem:$0x3FAF]  }
0x2b: {  	s6 =	sld [smem:$0x3FB0]  }
0x2c: {  	s7 =	sld [smem:$0x3FB1]  }
0x2d: {  	s3 =	simm.s32 $0x108;
	s8 =	sld [smem:$0x3FB2]  }
0x2e: {  	s3 =	simm.s32 @!p0 $0x1082;
	s9 =	sld [smem:$0x3FB3]  }
0x2f: {  	lr =	sadd.s32 s0, s3;
	s0 =	sld [smem:$0x3FAA]  }
0x30: {  	s3 =	sld [smem:$0x3FAD]  }
0x31: {  	[smem:$0x3FB6] =	sst s10  }
0x32: {  	s10 =	sld [smem:$0x3FB4];
	_ =	sdelay $0x3  }
0x33: {  	p0 =	seq.s32 s10, $0x1;
	s10 =	sld [smem:$0x3FB6];
	_ =	sdelay $0x3  }
0x34: {  	[smem:$0x3FB6] =	sst s10  }
0x35: {  	s10 =	sld [smem:$0x3FB5];
	_ =	sdelay $0x3  }
0x36: {  	p1 =	seq.s32 s10, $0x1;
	s10 =	sld [smem:$0x3FB6];
	_ =	sdelay $0x3  }
0x37: {  	[smem:$0x3FB6] =	sst s10  }
0x38: {  	s10 =	sld [smem:$0x3FB7]  }
0x39: {  	_ = 	snop;
	(pc) =	sbr.ind lr, $3  }
0x3a: {  	_ = 	snop  }
0x3b: {  	_ = 	snop  }
0x3c: {  	p2 =	seq.s32 s10, $0x1;
	s10 =	sld [smem:$0x3FB6]  }
0x3d: {  	_ =	shalt  }
0x3e: {  	_ =	shalt  }
0x3f: {  	_ =	shalt  }
0x40: {  	_ =	shalt  }
0x41: {  	_ =	shalt  }
0x42: {  	_ =	shalt  }
0x43: {  	_ =	shalt  }
0x44: {  	_ =	shalt  }
0x45: {  	_ =	shalt  }
0x46: {  	_ =	shalt  }
0x47: {  	_ =	shalt  }
0x48: {  	_ =	shalt  }
0x49: {  	_ =	shalt  }
0x4a: {  	_ =	shalt  }
0x4b: {  	_ =	shalt  }
0x4c: {  	_ =	shalt  }
0x4d: {  	_ =	shalt  }
0x4e: {  	_ =	shalt  }
0x4f: {  	_ =	shalt  }
0x50: {  	_ =	shalt  }
0x51: {  	_ =	shalt  }
0x52: {  	_ =	shalt  }
0x53: {  	_ =	shalt  }
0x54: {  	_ =	shalt  }
0x55: {  	_ =	shalt  }
0x56: {  	_ =	shalt  }
0x57: {  	_ =	shalt  }
0x58: {  	_ =	shalt  }
0x59: {  	_ =	shalt  }
0x5a: {  	_ =	shalt  }
0x5b: {  	_ =	shalt  }
0x5c: {  	_ =	shalt  }
0x5d: {  	_ =	shalt  }
0x5e: {  	_ =	shalt  }
0x5f: {  	_ =	shalt  }
0x60: {  	_ =	shalt  }
0x61: {  	_ =	shalt  }
0x62: {  	_ =	shalt  }
0x63: {  	_ =	shalt  }
0x64: {  	_ =	shalt  }
0x65: {  	_ =	shalt  }
0x66: {  	_ =	shalt  }
0x67: {  	_ =	shalt  }
0x68: {  	_ =	shalt  }
0x69: {  	_ =	shalt  }
0x6a: {  	_ =	shalt  }
0x6b: {  	_ =	shalt  }
0x6c: {  	_ =	shalt  }
0x6d: {  	_ =	shalt  }
0x6e: {  	_ =	shalt  }
0x6f: {  	_ =	shalt  }
0x70: {  	_ =	shalt  }
0x71: {  	_ =	shalt  }
0x72: {  	_ =	shalt  }
0x73: {  	_ =	shalt  }
0x74: {  	_ =	shalt  }
0x75: {  	_ =	shalt  }
0x76: {  	_ =	shalt  }
0x77: {  	_ =	shalt  }
0x78: {  	_ =	shalt  }
0x79: {  	_ =	shalt  }
0x7a: {  	_ =	shalt  }
0x7b: {  	_ =	shalt  }
0x7c: {  	_ =	shalt  }
0x7d: {  	_ =	shalt  }
0x7e: {  	_ =	shalt  }
0x7f: {  	_ =	shalt  }
0x80: {  	_ =	shalt  }
0x81: {  	_ =	shalt  }
0x82: {  	_ =	shalt  }
0x83: {  	_ =	shalt  }
0x84: {  	_ =	shalt  }
0x85: {  	_ =	shalt  }
0x86: {  	_ =	shalt  }
0x87: {  	_ =	shalt  }
.Lfunc_end0:
.L_simem_size_0:
called_computation_lowered:
.L_overlay_start_0:
0x88: {  	s2 =	sld [smem:$0x3FD9]  }
0x89: {  	s3 =	sld [smem:$0x3FFE];
	_ =	sdelay $0x1  }
0x8a: {  	s1 =	srdreg.scid  }
0x8b: {  	s0 =	sand.u32 $0x1, s1  }
0x8c: {  	s17 =	sshll.u32 s0, $0xA;
	s2 =	sadd.s32 s3, s2  }
0x8d: {  	s2 =	sadd.s32 s2, s17  }
0x8e: {  	[smem:$0x3FC2] =	sst s2  }
0x8f: {  	_ = 	snop  }
0x90: {  	s2 =	sld [smem:$0x3FD0];
	(tm) =	ssettm $0x1  }
0x91: {  	s18 =	sld [smem:$0x3FFB];
	_ =	sdelay $0x3  }
0x92: {  	_ =	strace s18  }
0x93: {  	s3 =	sld [smem:$0x3FFC];
	_ =	sdelay $0x3  }
0x94: {  	_ =	strace s3  }
0x95: {  	s3 =	sld [smem:$0x3FFD];
	_ =	sdelay $0x3  }
0x96: {  	_ =	strace s3  }
0x97: {  	_ =	strace $0x8FFFFFFF  }
0x98: {  	s19 =	sld [smem:$0x3FDB];
	_ =	sdelay $0x1  }
0x99: {  	s4 =	simm.s32 $_scs_section_size  }
0x9a: {  	s5 =	simm.s32 $_size__tile_overlayer_lowered;
	s6 =	simm.s32 $_tile_overlayer_lowered  }
0x9b: {  	s22 =	simm.s32 $0x1BFF;
	s21 =	sshll.u32 s6, $0x1;
	s3 =	sadd.s32 s4, s19  }
0x9c: {  	s7 =	simm.s32 $0x0;
	s20 =	sshll.u32 s5, $0x1;
	s5 =	sadd.s32 s21, s3  }
0x9d: {  	[timem:s7], [sflag:s22] =	dma.local [hbm:s5], s20  }
0x9e: {  	_ =	swait.ge [sflag:s22], s20  }
0x9f: {  	s4 =	ssub.s32 $0x0, s20;
	[sflag:s22] =	ssyncset.done $0x0  }
0xa0: {  	[sflag:s22] =	ssyncadd.s32 s4;
	_ =	sdelay $0x1  }
0xa1: {  	s23 =	simm.s32 $0x1B8B  }
0xa2: {  	_ =	swait.ge [sflag:s23], $0x1  }
0xa3: {  	[sflag:s23] =	ssyncset.done $0x0  }
0xa4: {  	s25 =	simm.s32 $0x1B8E;
	s24 =	sld [smem:$0x3FFE];
	[sflag:s23] =	ssyncadd.s32 $0xFFFFFFFF  }
0xa5: {  	s26 =	simm.s32 $execute0_lowered;
	[smem:$0x3FD2] =	sst s25  }
0xa6: {  	s5 =	sshll.u32 s26, $0x1;
	_ =	strace $0x80000046;
	[dreg:$0x1] =	wrdreg $0xFFFFFFFF  }
0xa7: {  	s28 =	simm.s32 $_size_execute0_lowered;
	s3 =	sadd.s32 s3, s5;
	[dreg:$0x0] =	wrdreg $0x0  }
0xa8: {  	s5 =	sshll.u32 s28, $0x1;
	[dreg:$0x2] =	wrdreg s3  }
0xa9: {  	[dreg:$0x3] =	wrdreg s5  }
0xaa: {  	[dreg:$0x4] =	wrdreg $0xC0  }
0xab: {  	_ =	task [dreg:s7], $0x5FFFF  }
0xac: {  	[dreg:$0x1] =	wrdreg $0xFFFFFFFF  }
0xad: {  	[dreg:$0x0] =	wrdreg $0x60  }
0xae: {  	[dreg:$0x2] =	wrdreg s24  }
0xaf: {  	[dreg:$0x3] =	wrdreg s2  }
0xb0: {  	[dreg:$0x4] =	wrdreg $0x9  }
0xb1: {  	_ =	task.clear_ibuf [dreg:s7], $0x5FFFF;
	_ =	strace $0x90000046  }
0xb2: {  	s29 =	simm.s32 $0x9;
	_ =	strace $0x80000048  }
0xb3: {  	_ =	swait.ge [sflag:s29], $0x1  }
0xb4: {  	[sflag:s29] =	ssyncadd.s32 $0xFFFFFFFF  }
0xb5: {  	_ =	strace $0x90000048  }
0xb6: {  	_ =	sfence  }
0xb7: {  	s30 =	sld [smem:$0x0];
	_ =	sdelay $0x2  }
0xb8: {  	s31 =	sshll.u32 s1, $0xD;
	s1 =	sshrl.u32 s1, $0x2  }
0xb9: {  	s3 =	sand.u32 $0x4000, s31;
	s1 =	sadd.s32 s1, s30  }
0xba: {  	s0 =	sor.u32 s3, s0;
	s1 =	sshll.u32 s1, $0x11  }
0xbb: {  	s0 =	sor.u32 s1, s0  }
0xbc: {  	s0 =	sadd.s32 $0x8F2B, s0  }
0xbd: {  	[sflag:s0] =	ssyncadd.remote.s32 $0x1  }
0xbe: {  	_ =	sfence.sel $0xFFFF  }
0xbf: {  	[dreg:$0x0] =	wrdreg $0xFFFFFFFF;
	(pc) =	sbr.abs _section_cstart, $3  }
0xc0: {  	[dreg:$0x1] =	wrdreg $0xFFFFFFFF  }
0xc1: {  	_ =	task.clear_ibuf [dreg:s7], $0x2FFFF;
	_ =	strace $0x9FFFFFFF  }
0xc2: {  	(tm) =	ssettm $0x7FFFFFFF  }
0xc3: {  	_ =	shalt  }
tec
execute0_lowered:
.L_overlay_start_1:
0x0: {  	(tag) =	ssettag $0x1  }
0x1: {  	s0 =	srdreg.scid  }
0x2: {  	s4 =	rddreg [dreg:$0x0];
	s3 =	sand.u32 $0x1, s0  }
0x3: {  	s5 =	rddreg [dreg:$0x1];
	s0 =	stileid.u32;
	s1 =	sshll.u32 s3, $0x4  }
0x4: {  	s2 =	simm.s32 $0x0;
	s9 =	simm.s32 $0x400;
	s6 =	sor.u32 s0, s1  }
0x5: {  	s10 =	simm.s32 $0x0;
	[smem:$0x7FF] =	sst s2;
	s7 =	sshrl.u32 s6, $0x3  }
0x6: {  	s8 =	sshll.u32 s0, $0x7;
	s3 =	ssub.s32 $0x2, s3;
	s7 =	smul.u32 $0x14000, s7  }
0x7: {  	s1 =	rddreg [dreg:$0x2];
	s8 =	sand.u32 $0x380, s8;
	s6 =	smul.u32 $0x500, s6  }
0x8: {  	_ =	strace $0x80000047;
	s31 =	sshrl.u32 s3, $0x1;
	s7 =	sor.u32 s8, s7  }
0x9: {  	s4 =	sadd.s32 s6, s4;
	s6 =	ssub.s32 s3, s31;
	s7 =	sshrl.u32 s7, $0x3  }
0xa: {  	s3 =	sadd.s32 $0x3200, s4;
	s8 =	simm.s32 $0x80;
	s4 =	sadd.s32 s5, s7  }
0xb: {  	v0 =	vimm.f32 $0.0e+00;
	v1 =	vimm.f32 $1.000000000e+00;
	s5 =	smax.u32 s6, $0x1;
	s6 =	simm.s32 $0x1;
	s7 =	simm.s32 $0x2800  }
.LBB2_1:
0xc: {  	[tilespmem:s2], [sflag:$0x1] =	stream.linear.gather [hbm4b:s3+s2], $0x2800, $0x38;
	[tilespmem:$0x5000] =	vst v63  }
0xd: {  	_ =	swait.ge [sflag:s6], $0x2800  }
0xe: {  	[sflag:s6] =	ssyncset.done $0x0  }
0xf: {  	s11 =	simm.s32 $0x0;
	[sflag:s6] =	ssyncadd.s32 $0xFFFFD800  }
.LBB2_2:
0x10: {  	p0 =	sne.s32 s11, $0x9FC0  }
.Ltmp0:
0x11: {  	_ = 	snop;
	(pc) =	sbr.rel @p0 .LBB2_2-.Ltmp0, $3  }
0x12: {  	_ =	sdelay $0x1  }
0x13: {  	s12 =	sshra.s32 s11, $0x2  }
0x14: {  	s11 =	sadd.s32 $0x40, s11;
	[tilespmem:s12+$0x2800] =	vst v0  }
0x15: {  	s11 =	simm.s32 $0x0  }
.LBB2_4:
0x16: {  	s12 =	sshra.s32 s11, $0x2  }
0x17: {  	v2 =	vld [tilespmem:s12+$0x0];
	_ =	sdelay $0x7  }
0x18: {  	[tilespmem:v2+s7+$0x0] =	vst.idx.add.f32.msk $0xffff, v1  }
0x19: {  	v2 =	vld [tilespmem:s12+$0x10];
	_ =	sdelay $0x7  }
0x1a: {  	[tilespmem:v2+s7+$0x0] =	vst.idx.add.f32.msk $0xffff, v1  }
0x1b: {  	v2 =	vld [tilespmem:s12+$0x20];
	_ =	sdelay $0x7  }
0x1c: {  	[tilespmem:v2+s7+$0x0] =	vst.idx.add.f32.msk $0xffff, v1  }
0x1d: {  	v2 =	vld [tilespmem:s12+$0x30];
	_ =	sdelay $0x7  }
0x1e: {  	[tilespmem:v2+s7+$0x0] =	vst.idx.add.f32.msk $0xffff, v1  }
0x1f: {  	v2 =	vld [tilespmem:s12+$0x40];
	_ =	sdelay $0x7  }
0x20: {  	[tilespmem:v2+s7+$0x0] =	vst.idx.add.f32.msk $0xffff, v1  }
0x21: {  	v2 =	vld [tilespmem:s12+$0x50];
	_ =	sdelay $0x7  }
0x22: {  	[tilespmem:v2+s7+$0x0] =	vst.idx.add.f32.msk $0xffff, v1  }
0x23: {  	v2 =	vld [tilespmem:s12+$0x60];
	_ =	sdelay $0x7  }
0x24: {  	[tilespmem:v2+s7+$0x0] =	vst.idx.add.f32.msk $0xffff, v1  }
0x25: {  	v2 =	vld [tilespmem:s12+$0x70];
	_ =	sdelay $0x2  }
0x26: {  	p0 =	sne.s32 s11, $0x9E00  }
.Ltmp1:
0x27: {  	_ = 	snop;
	(pc) =	sbr.rel @p0 .LBB2_4-.Ltmp1, $2  }
0x28: {  	_ =	sdelay $0x2  }
0x29: {  	s11 =	sadd.s32 $0x200, s11;
	[tilespmem:v2+s7+$0x0] =	vst.idx.add.f32.msk $0xffff, v1  }
0x2a: {  	s10 =	sadd.s32 $0x1, s10  }
0x2b: {  	p0 =	sne.s32 s10, s5  }
.Ltmp2:
0x2c: {  	_ = 	snop;
	(pc) =	sbr.rel @p0 .LBB2_1-.Ltmp2, $4  }
0x2d: {  	[hbm4b:s4+s8] =	stream.strided.scatter [tilespmem:s7], [sflag:$0x1], $0x2800, s9, s8, $0x38;
	[tilespmem:$0x5000] =	vst v63  }
0x2e: {  	_ =	swait.ge [sflag:s6], $0x2800  }
0x2f: {  	[sflag:s6] =	ssyncset.done $0x0  }
0x30: {  	[sflag:s6] =	ssyncadd.s32 $0xFFFFD800  }
0x31: {  	_ =	sfence.sel $0x180000  }
0x32: {  	[bflag:$0x0] =	sbarrier.arrive $0xFFFF  }
0x33: {  	p0 =	sne.s32 s0, $0x0;
	_ =	strace $0x90000047  }
0x34: {  	s0 =	sadd.s32 @!p0 $0x100000, s1;
	[bflag:$0x2] =	sbarrier.arrive $0xFFFF  }
0x35: {  	[sflag:s0] =	ssyncadd.tile.s32 @!p0 $0x1;
	_ =	shalt  }
.Lfunc_end2:
_tile_overlayer_lowered:
.L_overlay_start_2:
0x36: {  	(tag) =	ssettag $0x2  }
0x37: {  	s0 =	rddreg [dreg:$0x0];
	s2 =	stileid.u32  }
0x38: {  	s1 =	rddreg [dreg:$0x1];
	p0 =	sne.s32 s2, $0x0  }
0x39: {  	s3 =	rddreg [dreg:$0x2];
	[bflag:$0x3] =	sbarrier.arrive $0xFFFF;
	s2 =	simm.s32 @!p0 $0x1C01  }
0x3a: {  	[timem:s3], [sflag:s2] =	dma.local @!p0 [hbm:s0], s1  }
0x3b: {  	s0 =	simm.s32 @!p0 $0x1  }
0x3c: {  	_ =	swait.ge @!p0 [sflag:s0], s1  }
0x3d: {  	s1 =	ssub.s32 @!p0 $0x0, s1;
	[sflag:s0] =	ssyncset.done @!p0 $0x0  }
0x3e: {  	[sflag:s0] =	ssyncadd.s32 @!p0 s1  }
0x3f: {  	[bflag:$0x3] =	sbarrier.arrive $0xFFFF  }
0x40: {  	_ =	shalt  }

</sc_bundles>
